<compile_context>
chip_gen: v7x
topology: tpu7x:2x2x1
jax: 0.10.2.dev20260603
libtpu: 0.0.44.dev20260713+nightly
codegen_flags: <defaults>
</compile_context>

<pallas_src>
import functools

import jax
import jax.numpy as jnp
from jax import lax
from jax.experimental import pallas as pl
from jax.experimental.pallas import tpu as pltpu
from jax.experimental.pallas import tpu_sc as plsc

NC = 2
NS = 16
NW = NC * NS
L = 16
NBUF = 4


@functools.lru_cache(maxsize=None)
def _build(B, V, F, D):
    BPW = B // NW
    n_groups = BPW // L

    mesh = plsc.VectorSubcoreMesh(core_axis_name="c", subcore_axis_name="s")

    @functools.partial(
        pl.kernel,
        mesh=mesh,
        out_type=jax.ShapeDtypeStruct((B, D), jnp.float32),
        compiler_params=pltpu.CompilerParams(needs_layout_passes=False),
        scratch_types=[
            pltpu.VMEM((BPW,), jnp.int32),
            pltpu.VMEM((BPW,), jnp.int32),
            pltpu.VMEM((BPW,), jnp.int32),
            pltpu.VMEM_SHARED((F, D), jnp.float32),
            pltpu.VMEM((NBUF, L, D), jnp.float32),
            pltpu.SemaphoreType.DMA((NBUF,)),
            pltpu.SemaphoreType.DMA((NBUF,)),
            pltpu.SemaphoreType.DMA,
        ],
    )
    def sc_kernel(fpi_hbm, fbi_hbm, val_hbm, fpm_hbm, fbt_hbm, out_hbm,
                  fpi_v, fbi_v, val_v, fb_sh, rows,
                  sem_g, sem_w, sem_m):
        wid = lax.axis_index("s") * NC + lax.axis_index("c")
        base = wid * BPW
        pltpu.sync_copy(fpi_hbm.at[pl.ds(base, BPW)], fpi_v)
        pltpu.sync_copy(fbi_hbm.at[pl.ds(base, BPW)], fbi_v)
        pltpu.sync_copy(val_hbm.at[pl.ds(base, BPW)], val_v)
        cp_stage = pltpu.async_copy(fbt_hbm, fb_sh, sem_m)

        def gather(g, b):
            off = g * L
            pltpu.async_copy(fpm_hbm.at[fpi_v.at[pl.ds(off, L)]],
                             rows.at[b], sem_g.at[b])

        gather(0, 0)
        cp_stage.wait()
        gather(1, 1)

        def step(g, carry):
            off = g * L
            b = lax.rem(g, NBUF)
            bn = lax.rem(g + 2, NBUF)

            @pl.when(g > 1)
            def _():
                pltpu.make_async_copy(rows.at[bn],
                                      out_hbm.at[pl.ds(base, L)],
                                      sem_w.at[bn]).wait()

            @pl.when(g + 2 < n_groups)
            def _():
                gather(jnp.minimum(g + 2, n_groups - 1), bn)

            pltpu.make_async_copy(fpm_hbm.at[fpi_v.at[pl.ds(off, L)]],
                                  rows.at[b], sem_g.at[b]).wait()

            val16 = val_v[pl.ds(off, L)]
            fbi16 = fbi_v[pl.ds(off, L)]
            buf = rows.at[b]

            for e in range(L):
                @pl.when(val16[e] == 0)
                def _(e=e):
                    pltpu.async_copy(fb_sh.at[fbi16[e]], buf.at[e], sem_m)

            for e in range(L):
                @pl.when(val16[e] == 0)
                def _(e=e):
                    pltpu.make_async_copy(fb_sh.at[0], buf.at[e],
                                          sem_m).wait()

            pltpu.async_copy(buf, out_hbm.at[pl.ds(base + off, L)],
                             sem_w.at[b])
            return carry

        lax.fori_loop(0, n_groups, step, 0)

        b_l2 = lax.rem(jnp.int32(n_groups - 2), NBUF)
        b_l1 = lax.rem(jnp.int32(n_groups - 1), NBUF)
        pltpu.make_async_copy(rows.at[b_l2], out_hbm.at[pl.ds(base, L)],
                              sem_w.at[b_l2]).wait()
        pltpu.make_async_copy(rows.at[b_l1], out_hbm.at[pl.ds(base, L)],
                              sem_w.at[b_l1]).wait()

    return sc_kernel


def kernel(fp_idx, fb_idx, is_valid, fingerprint_matrix, fallback_table):
    B = fp_idx.shape[0]
    D = fingerprint_matrix.shape[1]
    sc = _build(B, fingerprint_matrix.shape[0], fallback_table.shape[0], D)
    return sc(fp_idx.astype(jnp.int32),
              fb_idx.astype(jnp.int32),
              is_valid.astype(jnp.int32),
              fingerprint_matrix,
              fallback_table)

# --- scband reference (transcript-rebuilt; emitter-appended) ---
"""Pipeline reference for scband-ecfpembedder-15169824490032 (READ-ONLY COPY).

The authoritative reference and input builder live on the scoring server;
editing this copy changes nothing except your own understanding.
"""

import jax, jax.numpy as jnp
import numpy as np

B = 16384
V = 100000  # number of valid SMILES labels (rows in fingerprint buffer)
F = 64      # number of invalid labels (rows in learnable fallback embedding)
D = 1024    # ECFP dim


def setup_inputs(seed: int = 0) -> dict:
    key = jax.random.key(seed)
    k1, k2, k3, k4, k5 = jax.random.split(key, 5)
    # per-batch-element index into the precomputed fingerprint buffer (valid labels)
    fp_idx = jax.random.randint(k1, (B,), 0, V)
    # per-batch-element index into the fallback embedding (invalid labels)
    fb_idx = jax.random.randint(k2, (B,), 0, F)
    # whether each label resolved to a valid fingerprint
    is_valid = jax.random.randint(k3, (B,), 0, 2).astype(bool)
    # ECFP fingerprints are binary bit-vectors; ~5% bit density is typical
    fingerprint_matrix = (jax.random.uniform(k4, (V, D)) < 0.05).astype(jnp.float32)
    # nn.Embedding default init ~ N(0, 1)
    fallback_table = jax.random.normal(k5, (F, D), dtype=jnp.float32)
    return {
        "fp_idx": fp_idx,
        "fb_idx": fb_idx,
        "is_valid": is_valid,
        "fingerprint_matrix": fingerprint_matrix,
        "fallback_table": fallback_table,
    }


def reference(fp_idx, fb_idx, is_valid, fingerprint_matrix, fallback_table):
    # Valid labels: gather row from the (frozen) fingerprint buffer.
    valid_emb = jnp.take(fingerprint_matrix, fp_idx, axis=0)
    # Invalid labels: gather row from the learnable fallback embedding.
    fallback_emb = jnp.take(fallback_table, fb_idx, axis=0)
    # Per-element select, equivalent to the torch loop + cat over the batch.
    out = jnp.where(is_valid[:, None], valid_emb, fallback_emb)
    return out

if __name__ == "__main__":
    import jax
    _d = setup_inputs()
    print(jax.jit(kernel)(*tuple(_d.values())))

</pallas_src>

<mosaic_0001>
#map = affine_map<(d0, d1) -> (0)>
#map1 = affine_map<(d0, d1) -> (0, 0)>
module attributes {stable_mosaic.version = 14 : i64} {
  func.func @sc_kernel(%arg0: i32, %arg1: i32, %arg2: memref<16384xi32, #tpu.memory_space<hbm>>, %arg3: memref<16384xi32, #tpu.memory_space<hbm>>, %arg4: memref<16384xi32, #tpu.memory_space<hbm>>, %arg5: memref<100000x1024xf32, #tpu.memory_space<hbm>>, %arg6: memref<64x1024xf32, #tpu.memory_space<hbm>>, %arg7: memref<16384x1024xf32, #tpu.memory_space<hbm>>, %arg8: memref<512xi32, #tpu.memory_space<vmem>>, %arg9: memref<512xi32, #tpu.memory_space<vmem>>, %arg10: memref<512xi32, #tpu.memory_space<vmem>>, %arg11: memref<64x1024xf32, #tpu.memory_space<vmem_shared>>, %arg12: memref<4x16x1024xf32, #tpu.memory_space<vmem>>, %arg13: memref<4x!tpu.dma_semaphore, #tpu.memory_space<semaphore_mem>>, %arg14: memref<4x!tpu.dma_semaphore, #tpu.memory_space<semaphore_mem>>, %arg15: memref<!tpu.dma_semaphore, #tpu.memory_space<semaphore_mem>>) attributes {dimension_semantics = [#tpu.dimension_semantics<core_parallel>, #tpu.dimension_semantics<subcore_parallel>], iteration_bounds = array<i64: 2, 16>, scalar_prefetch = 0 : i64, scratch_operands = 8 : i64, tpu.core_type = #tpu.core_type<sc_vector_subcore>, window_params = [{transform_indices = #map}, {transform_indices = #map}, {transform_indices = #map}, {transform_indices = #map1}, {transform_indices = #map1}, {transform_indices = #map1}]} {
    %mul3A = arith.constant 2 : i32
    %mul3A_0 = arith.muli %arg1, %mul3A : i32
    %add3A = arith.addi %mul3A_0, %arg0 : i32
    %mul3A_1 = arith.constant 512 : i32
    %mul3A_2 = arith.muli %add3A, %mul3A_1 : i32
    "tpu.region"() ({
      %run_scoped3A = tpu.sem_alloc : memref<!tpu.dma_semaphore, #tpu.memory_space<semaphore_mem>>
      %dma_start3A_65 = tpu.memref_slice %arg2[%mul3A_2] : memref<16384xi32, #tpu.memory_space<hbm>> -> memref<512xi32, #tpu.memory_space<hbm>>
      %dma_start3A_66 = tpu.memref_slice %arg2[%mul3A_2] : memref<16384xi32, #tpu.memory_space<hbm>> -> memref<512xi32, #tpu.memory_space<hbm>>
      tpu.enqueue_dma source(%dma_start3A_66 : memref<512xi32, #tpu.memory_space<hbm>>) target(%arg8 : memref<512xi32, #tpu.memory_space<vmem>>) target_semaphore(%run_scoped3A : memref<!tpu.dma_semaphore, #tpu.memory_space<semaphore_mem>>)
      %dma_wait3A_67 = tpu.memref_slice %arg2[%mul3A_2] : memref<16384xi32, #tpu.memory_space<hbm>> -> memref<512xi32, #tpu.memory_space<hbm>>
      %dma_wait3A_68 = tpu.memref_slice %arg2[%mul3A_2] : memref<16384xi32, #tpu.memory_space<hbm>> -> memref<512xi32, #tpu.memory_space<hbm>>
      tpu.wait_dma2 semaphore(%run_scoped3A : memref<!tpu.dma_semaphore, #tpu.memory_space<semaphore_mem>>) src(%dma_wait3A_68 : memref<512xi32, #tpu.memory_space<hbm>>) dst(%arg8 : memref<512xi32, #tpu.memory_space<vmem>>)
      tpu.yield
    }) : () -> ()
    "tpu.region"() ({
      %run_scoped3A = tpu.sem_alloc : memref<!tpu.dma_semaphore, #tpu.memory_space<semaphore_mem>>
      %dma_start3A_65 = tpu.memref_slice %arg3[%mul3A_2] : memref<16384xi32, #tpu.memory_space<hbm>> -> memref<512xi32, #tpu.memory_space<hbm>>
      %dma_start3A_66 = tpu.memref_slice %arg3[%mul3A_2] : memref<16384xi32, #tpu.memory_space<hbm>> -> memref<512xi32, #tpu.memory_space<hbm>>
      tpu.enqueue_dma source(%dma_start3A_66 : memref<512xi32, #tpu.memory_space<hbm>>) target(%arg9 : memref<512xi32, #tpu.memory_space<vmem>>) target_semaphore(%run_scoped3A : memref<!tpu.dma_semaphore, #tpu.memory_space<semaphore_mem>>)
      %dma_wait3A_67 = tpu.memref_slice %arg3[%mul3A_2] : memref<16384xi32, #tpu.memory_space<hbm>> -> memref<512xi32, #tpu.memory_space<hbm>>
      %dma_wait3A_68 = tpu.memref_slice %arg3[%mul3A_2] : memref<16384xi32, #tpu.memory_space<hbm>> -> memref<512xi32, #tpu.memory_space<hbm>>
      tpu.wait_dma2 semaphore(%run_scoped3A : memref<!tpu.dma_semaphore, #tpu.memory_space<semaphore_mem>>) src(%dma_wait3A_68 : memref<512xi32, #tpu.memory_space<hbm>>) dst(%arg9 : memref<512xi32, #tpu.memory_space<vmem>>)
      tpu.yield
    }) : () -> ()
    "tpu.region"() ({
      %run_scoped3A = tpu.sem_alloc : memref<!tpu.dma_semaphore, #tpu.memory_space<semaphore_mem>>
      %dma_start3A_65 = tpu.memref_slice %arg4[%mul3A_2] : memref<16384xi32, #tpu.memory_space<hbm>> -> memref<512xi32, #tpu.memory_space<hbm>>
      %dma_start3A_66 = tpu.memref_slice %arg4[%mul3A_2] : memref<16384xi32, #tpu.memory_space<hbm>> -> memref<512xi32, #tpu.memory_space<hbm>>
      tpu.enqueue_dma source(%dma_start3A_66 : memref<512xi32, #tpu.memory_space<hbm>>) target(%arg10 : memref<512xi32, #tpu.memory_space<vmem>>) target_semaphore(%run_scoped3A : memref<!tpu.dma_semaphore, #tpu.memory_space<semaphore_mem>>)
      %dma_wait3A_67 = tpu.memref_slice %arg4[%mul3A_2] : memref<16384xi32, #tpu.memory_space<hbm>> -> memref<512xi32, #tpu.memory_space<hbm>>
      %dma_wait3A_68 = tpu.memref_slice %arg4[%mul3A_2] : memref<16384xi32, #tpu.memory_space<hbm>> -> memref<512xi32, #tpu.memory_space<hbm>>
      tpu.wait_dma2 semaphore(%run_scoped3A : memref<!tpu.dma_semaphore, #tpu.memory_space<semaphore_mem>>) src(%dma_wait3A_68 : memref<512xi32, #tpu.memory_space<hbm>>) dst(%arg10 : memref<512xi32, #tpu.memory_space<vmem>>)
      tpu.yield
    }) : () -> ()
    tpu.enqueue_dma source(%arg6 : memref<64x1024xf32, #tpu.memory_space<hbm>>) target(%arg11 : memref<64x1024xf32, #tpu.memory_space<vmem_shared>>) target_semaphore(%arg15 : memref<!tpu.dma_semaphore, #tpu.memory_space<semaphore_mem>>)
    %dma_start3A = arith.constant 0 : i32
    %dma_start3A_3 = arith.constant 0 : i32
    %dma_start3A_4 = arith.constant 0 : i32
    %dma_start3A_5 = arith.constant 0 : i32
    %dma_start3A_6 = tpu.memref_slice %arg12[%dma_start3A, %dma_start3A_4, %dma_start3A_5] : memref<4x16x1024xf32, #tpu.memory_space<vmem>> -> memref<1x16x1024xf32, #tpu.memory_space<vmem>>
    %dma_start3A_7 = tpu.memref_squeeze %dma_start3A_6 : memref<1x16x1024xf32, #tpu.memory_space<vmem>> -> memref<16x1024xf32, #tpu.memory_space<vmem>>
    %dma_start3A_8 = arith.constant 0 : i32
    %dma_start3A_9 = tpu.memref_slice %arg8[%dma_start3A_8] : memref<512xi32, #tpu.memory_space<vmem>> -> memref<16xi32, #tpu.memory_space<vmem>>
    %dma_start3A_10 = arith.constant 0 : i32
    %dma_start3A_11 = arith.constant 0 : i32
    %dma_start3A_12 = tpu.memref_slice %arg5[%dma_start3A_10, %dma_start3A_11] : memref<100000x1024xf32, #tpu.memory_space<hbm>> -> memref<100000x1024xf32, #tpu.memory_space<hbm>>
    %dma_start3A_13 = tpu.memref_slice %arg13[%dma_start3A_3] : memref<4x!tpu.dma_semaphore, #tpu.memory_space<semaphore_mem>> -> memref<1x!tpu.dma_semaphore, #tpu.memory_space<semaphore_mem>>
    %dma_start3A_14 = tpu.memref_squeeze %dma_start3A_13 : memref<1x!tpu.dma_semaphore, #tpu.memory_space<semaphore_mem>> -> memref<!tpu.dma_semaphore, #tpu.memory_space<semaphore_mem>>
    tpu.enqueue_indirect_dma source(%dma_start3A_12 : memref<100000x1024xf32, #tpu.memory_space<hbm>>) target(%dma_start3A_7 : memref<16x1024xf32, #tpu.memory_space<vmem>>) offsets(%dma_start3A_9 : memref<16xi32, #tpu.memory_space<vmem>>) semaphore(%dma_start3A_14 : memref<!tpu.dma_semaphore, #tpu.memory_space<semaphore_mem>>)
    tpu.wait_dma2 semaphore(%arg15 : memref<!tpu.dma_semaphore, #tpu.memory_space<semaphore_mem>>) src(%arg6 : memref<64x1024xf32, #tpu.memory_space<hbm>>) dst(%arg11 : memref<64x1024xf32, #tpu.memory_space<vmem_shared>>)
    %dma_start3A_15 = arith.constant 1 : i32
    %dma_start3A_16 = arith.constant 1 : i32
    %dma_start3A_17 = arith.constant 0 : i32
    %dma_start3A_18 = arith.constant 0 : i32
    %dma_start3A_19 = tpu.memref_slice %arg12[%dma_start3A_15, %dma_start3A_17, %dma_start3A_18] : memref<4x16x1024xf32, #tpu.memory_space<vmem>> -> memref<1x16x1024xf32, #tpu.memory_space<vmem>>
    %dma_start3A_20 = tpu.memref_squeeze %dma_start3A_19 : memref<1x16x1024xf32, #tpu.memory_space<vmem>> -> memref<16x1024xf32, #tpu.memory_space<vmem>>
    %dma_start3A_21 = arith.constant 16 : i32
    %dma_start3A_22 = tpu.memref_slice %arg8[%dma_start3A_21] : memref<512xi32, #tpu.memory_space<vmem>> -> memref<16xi32, #tpu.memory_space<vmem>>
    %dma_start3A_23 = arith.constant 0 : i32
    %dma_start3A_24 = arith.constant 0 : i32
    %dma_start3A_25 = tpu.memref_slice %arg5[%dma_start3A_23, %dma_start3A_24] : memref<100000x1024xf32, #tpu.memory_space<hbm>> -> memref<100000x1024xf32, #tpu.memory_space<hbm>>
    %dma_start3A_26 = tpu.memref_slice %arg13[%dma_start3A_16] : memref<4x!tpu.dma_semaphore, #tpu.memory_space<semaphore_mem>> -> memref<1x!tpu.dma_semaphore, #tpu.memory_space<semaphore_mem>>
    %dma_start3A_27 = tpu.memref_squeeze %dma_start3A_26 : memref<1x!tpu.dma_semaphore, #tpu.memory_space<semaphore_mem>> -> memref<!tpu.dma_semaphore, #tpu.memory_space<semaphore_mem>>
    tpu.enqueue_indirect_dma source(%dma_start3A_25 : memref<100000x1024xf32, #tpu.memory_space<hbm>>) target(%dma_start3A_20 : memref<16x1024xf32, #tpu.memory_space<vmem>>) offsets(%dma_start3A_22 : memref<16xi32, #tpu.memory_space<vmem>>) semaphore(%dma_start3A_27 : memref<!tpu.dma_semaphore, #tpu.memory_space<semaphore_mem>>)
    %scan3A = arith.constant 0 : i32
    %scan3A_28 = arith.constant 0 : i32
    %scan3A_29 = arith.constant 32 : i32
    %scan3A_30 = arith.addi %scan3A_28, %scan3A_29 : i32
    %scan3A_31 = arith.constant 1 : i32
    scf.for %scan3A_65 = %scan3A_28 to %scan3A_30 step %scan3A_31  : i32 {
      %mul3A_66 = arith.constant 16 : i32
      %mul3A_67 = arith.muli %scan3A_65, %mul3A_66 : i32
      %rem3A_68 = arith.constant 4 : i32
      %rem3A_69 = arith.remsi %scan3A_65, %rem3A_68 : i32
      %add3A_70 = arith.constant 2 : i32
      %add3A_71 = arith.addi %scan3A_65, %add3A_70 : i32
      %rem3A_72 = arith.constant 4 : i32
      %rem3A_73 = arith.remsi %add3A_71, %rem3A_72 : i32
      %gt3A = arith.constant 1 : i32
      %gt3A_74 = arith.cmpi sgt, %scan3A_65, %gt3A : i32
      %convert_element_type3A = arith.extui %gt3A_74 : i1 to i32
      %cond3A = arith.constant 0 : i32
      %cond3A_75 = arith.cmpi ne, %convert_element_type3A, %cond3A : i32
      scf.if %cond3A_75 {
        %dma_wait3A_331 = arith.constant 0 : i32
        %dma_wait3A_332 = arith.constant 0 : i32
        %dma_wait3A_333 = tpu.memref_slice %arg12[%rem3A_73, %dma_wait3A_331, %dma_wait3A_332] : memref<4x16x1024xf32, #tpu.memory_space<vmem>> -> memref<1x16x1024xf32, #tpu.memory_space<vmem>>
        %dma_wait3A_334 = tpu.memref_squeeze %dma_wait3A_333 : memref<1x16x1024xf32, #tpu.memory_space<vmem>> -> memref<16x1024xf32, #tpu.memory_space<vmem>>
        %dma_wait3A_335 = arith.constant 0 : i32
        %dma_wait3A_336 = tpu.memref_slice %arg7[%mul3A_2, %dma_wait3A_335] : memref<16384x1024xf32, #tpu.memory_space<hbm>> -> memref<16x1024xf32, #tpu.memory_space<hbm>>
        %dma_wait3A_337 = tpu.memref_slice %arg14[%rem3A_73] : memref<4x!tpu.dma_semaphore, #tpu.memory_space<semaphore_mem>> -> memref<1x!tpu.dma_semaphore, #tpu.memory_space<semaphore_mem>>
        %dma_wait3A_338 = tpu.memref_squeeze %dma_wait3A_337 : memref<1x!tpu.dma_semaphore, #tpu.memory_space<semaphore_mem>> -> memref<!tpu.dma_semaphore, #tpu.memory_space<semaphore_mem>>
        %dma_wait3A_339 = arith.constant 0 : i32
        %dma_wait3A_340 = tpu.memref_slice %arg7[%mul3A_2, %dma_wait3A_339] : memref<16384x1024xf32, #tpu.memory_space<hbm>> -> memref<16x1024xf32, #tpu.memory_space<hbm>>
        %dma_wait3A_341 = arith.constant 0 : i32
        %dma_wait3A_342 = arith.constant 0 : i32
        %dma_wait3A_343 = tpu.memref_slice %arg12[%rem3A_73, %dma_wait3A_341, %dma_wait3A_342] : memref<4x16x1024xf32, #tpu.memory_space<vmem>> -> memref<1x16x1024xf32, #tpu.memory_space<vmem>>
        %dma_wait3A_344 = tpu.memref_squeeze %dma_wait3A_343 : memref<1x16x1024xf32, #tpu.memory_space<vmem>> -> memref<16x1024xf32, #tpu.memory_space<vmem>>
        tpu.wait_dma2 semaphore(%dma_wait3A_338 : memref<!tpu.dma_semaphore, #tpu.memory_space<semaphore_mem>>) src(%dma_wait3A_344 : memref<16x1024xf32, #tpu.memory_space<vmem>>) dst(%dma_wait3A_340 : memref<16x1024xf32, #tpu.memory_space<hbm>>)
      } else {
      }
      %add3A_76 = arith.constant 2 : i32
      %add3A_77 = arith.addi %scan3A_65, %add3A_76 : i32
      %lt3A = arith.constant 32 : i32
      %lt3A_78 = arith.cmpi slt, %add3A_77, %lt3A : i32
      %convert_element_type3A_79 = arith.extui %lt3A_78 : i1 to i32
      %cond3A_80 = arith.constant 0 : i32
      %cond3A_81 = arith.cmpi ne, %convert_element_type3A_79, %cond3A_80 : i32
      scf.if %cond3A_81 {
        %add3A_331 = arith.constant 2 : i32
        %add3A_332 = arith.addi %scan3A_65, %add3A_331 : i32
        %min3A = arith.constant 31 : i32
        %min3A_333 = arith.minsi %add3A_332, %min3A : i32
        %mul3A_334 = arith.constant 16 : i32
        %mul3A_335 = arith.muli %min3A_333, %mul3A_334 : i32
        %dma_start3A_336 = arith.constant 0 : i32
        %dma_start3A_337 = arith.constant 0 : i32
        %dma_start3A_338 = tpu.memref_slice %arg12[%rem3A_73, %dma_start3A_336, %dma_start3A_337] : memref<4x16x1024xf32, #tpu.memory_space<vmem>> -> memref<1x16x1024xf32, #tpu.memory_space<vmem>>
        %dma_start3A_339 = tpu.memref_squeeze %dma_start3A_338 : memref<1x16x1024xf32, #tpu.memory_space<vmem>> -> memref<16x1024xf32, #tpu.memory_space<vmem>>
        %dma_start3A_340 = tpu.memref_slice %arg8[%mul3A_335] : memref<512xi32, #tpu.memory_space<vmem>> -> memref<16xi32, #tpu.memory_space<vmem>>
        %dma_start3A_341 = arith.constant 0 : i32
        %dma_start3A_342 = arith.constant 0 : i32
        %dma_start3A_343 = tpu.memref_slice %arg5[%dma_start3A_341, %dma_start3A_342] : memref<100000x1024xf32, #tpu.memory_space<hbm>> -> memref<100000x1024xf32, #tpu.memory_space<hbm>>
        %dma_start3A_344 = tpu.memref_slice %arg13[%rem3A_73] : memref<4x!tpu.dma_semaphore, #tpu.memory_space<semaphore_mem>> -> memref<1x!tpu.dma_semaphore, #tpu.memory_space<semaphore_mem>>
        %dma_start3A_345 = tpu.memref_squeeze %dma_start3A_344 : memref<1x!tpu.dma_semaphore, #tpu.memory_space<semaphore_mem>> -> memref<!tpu.dma_semaphore, #tpu.memory_space<semaphore_mem>>
        tpu.enqueue_indirect_dma source(%dma_start3A_343 : memref<100000x1024xf32, #tpu.memory_space<hbm>>) target(%dma_start3A_339 : memref<16x1024xf32, #tpu.memory_space<vmem>>) offsets(%dma_start3A_340 : memref<16xi32, #tpu.memory_space<vmem>>) semaphore(%dma_start3A_345 : memref<!tpu.dma_semaphore, #tpu.memory_space<semaphore_mem>>)
      } else {
      }
      %dma_wait3A_82 = arith.constant 0 : i32
      %dma_wait3A_83 = arith.constant 0 : i32
      %dma_wait3A_84 = tpu.memref_slice %arg12[%rem3A_69, %dma_wait3A_82, %dma_wait3A_83] : memref<4x16x1024xf32, #tpu.memory_space<vmem>> -> memref<1x16x1024xf32, #tpu.memory_space<vmem>>
      %dma_wait3A_85 = tpu.memref_squeeze %dma_wait3A_84 : memref<1x16x1024xf32, #tpu.memory_space<vmem>> -> memref<16x1024xf32, #tpu.memory_space<vmem>>
      %dma_wait3A_86 = tpu.memref_slice %arg8[%mul3A_67] : memref<512xi32, #tpu.memory_space<vmem>> -> memref<16xi32, #tpu.memory_space<vmem>>
      %dma_wait3A_87 = arith.constant 0 : i32
      %dma_wait3A_88 = arith.constant 0 : i32
      %dma_wait3A_89 = tpu.memref_slice %arg5[%dma_wait3A_87, %dma_wait3A_88] : memref<100000x1024xf32, #tpu.memory_space<hbm>> -> memref<100000x1024xf32, #tpu.memory_space<hbm>>
      %dma_wait3A_90 = tpu.memref_slice %arg13[%rem3A_69] : memref<4x!tpu.dma_semaphore, #tpu.memory_space<semaphore_mem>> -> memref<1x!tpu.dma_semaphore, #tpu.memory_space<semaphore_mem>>
      %dma_wait3A_91 = tpu.memref_squeeze %dma_wait3A_90 : memref<1x!tpu.dma_semaphore, #tpu.memory_space<semaphore_mem>> -> memref<!tpu.dma_semaphore, #tpu.memory_space<semaphore_mem>>
      tpu.wait_indirect_dma semaphore(%dma_wait3A_91 : memref<!tpu.dma_semaphore, #tpu.memory_space<semaphore_mem>>) src(%dma_wait3A_89 : memref<100000x1024xf32, #tpu.memory_space<hbm>>) dst(%dma_wait3A_85 : memref<16x1024xf32, #tpu.memory_space<vmem>>)
      %get3A = arith.index_cast %mul3A_67 : i32 to index
      %get3A_92 = tpu.vector_load %arg10[%get3A] {strides = array<i32>} : memref<512xi32, #tpu.memory_space<vmem>>, vector<16xi32>,
      %get3A_93 = arith.index_cast %mul3A_67 : i32 to index
      %get3A_94 = tpu.vector_load %arg9[%get3A_93] {strides = array<i32>} : memref<512xi32, #tpu.memory_space<vmem>>, vector<16xi32>,
      %slice3A = vector.extract_strided_slice %get3A_92 {offsets = [0], sizes = [1], strides = [1]} : vector<16xi32> to vector<1xi32>
      %squeeze3A = vector.extract %slice3A[0] : i32 from vector<1xi32>
      %eq3A = arith.constant 0 : i32
      %eq3A_95 = arith.cmpi eq, %squeeze3A, %eq3A : i32
      %convert_element_type3A_96 = arith.extui %eq3A_95 : i1 to i32
      %cond3A_97 = arith.constant 0 : i32
      %cond3A_98 = arith.cmpi ne, %convert_element_type3A_96, %cond3A_97 : i32
      scf.if %cond3A_98 {
        %slice3A_331 = vector.extract_strided_slice %get3A_94 {offsets = [0], sizes = [1], strides = [1]} : vector<16xi32> to vector<1xi32>
        %squeeze3A_332 = vector.extract %slice3A_331[0] : i32 from vector<1xi32>
        %dma_start3A_333 = arith.constant 0 : i32
        %dma_start3A_334 = arith.constant 0 : i32
        %dma_start3A_335 = arith.constant 0 : i32
        %dma_start3A_336 = tpu.memref_slice %arg12[%rem3A_69, %dma_start3A_334, %dma_start3A_335] : memref<4x16x1024xf32, #tpu.memory_space<vmem>> -> memref<1x16x1024xf32, #tpu.memory_space<vmem>>
        %dma_start3A_337 = tpu.memref_squeeze %dma_start3A_336 : memref<1x16x1024xf32, #tpu.memory_space<vmem>> -> memref<16x1024xf32, #tpu.memory_space<vmem>>
        %dma_start3A_338 = arith.constant 0 : i32
        %dma_start3A_339 = tpu.memref_slice %dma_start3A_337[%dma_start3A_333, %dma_start3A_338] : memref<16x1024xf32, #tpu.memory_space<vmem>> -> memref<1x1024xf32, #tpu.memory_space<vmem>>
        %dma_start3A_340 = tpu.memref_squeeze %dma_start3A_339 : memref<1x1024xf32, #tpu.memory_space<vmem>> -> memref<1024xf32, #tpu.memory_space<vmem>>
        %dma_start3A_341 = arith.constant 0 : i32
        %dma_start3A_342 = tpu.memref_slice %arg11[%squeeze3A_332, %dma_start3A_341] : memref<64x1024xf32, #tpu.memory_space<vmem_shared>> -> memref<1x1024xf32, #tpu.memory_space<vmem_shared>>
        %dma_start3A_343 = tpu.memref_squeeze %dma_start3A_342 : memref<1x1024xf32, #tpu.memory_space<vmem_shared>> -> memref<1024xf32, #tpu.memory_space<vmem_shared>>
        %dma_start3A_344 = arith.constant 0 : i32
        %dma_start3A_345 = arith.constant 0 : i32
        %dma_start3A_346 = tpu.memref_slice %arg12[%rem3A_69, %dma_start3A_344, %dma_start3A_345] : memref<4x16x1024xf32, #tpu.memory_space<vmem>> -> memref<1x16x1024xf32, #tpu.memory_space<vmem>>
        %dma_start3A_347 = tpu.memref_squeeze %dma_start3A_346 : memref<1x16x1024xf32, #tpu.memory_space<vmem>> -> memref<16x1024xf32, #tpu.memory_space<vmem>>
        %dma_start3A_348 = arith.constant 0 : i32
        %dma_start3A_349 = tpu.memref_slice %dma_start3A_347[%dma_start3A_333, %dma_start3A_348] : memref<16x1024xf32, #tpu.memory_space<vmem>> -> memref<1x1024xf32, #tpu.memory_space<vmem>>
        %dma_start3A_350 = tpu.memref_squeeze %dma_start3A_349 : memref<1x1024xf32, #tpu.memory_space<vmem>> -> memref<1024xf32, #tpu.memory_space<vmem>>
        %dma_start3A_351 = arith.constant 0 : i32
        %dma_start3A_352 = tpu.memref_slice %arg11[%squeeze3A_332, %dma_start3A_351] : memref<64x1024xf32, #tpu.memory_space<vmem_shared>> -> memref<1x1024xf32, #tpu.memory_space<vmem_shared>>
        %dma_start3A_353 = tpu.memref_squeeze %dma_start3A_352 : memref<1x1024xf32, #tpu.memory_space<vmem_shared>> -> memref<1024xf32, #tpu.memory_space<vmem_shared>>
        tpu.enqueue_dma source(%dma_start3A_353 : memref<1024xf32, #tpu.memory_space<vmem_shared>>) target(%dma_start3A_350 : memref<1024xf32, #tpu.memory_space<vmem>>) target_semaphore(%arg15 : memref<!tpu.dma_semaphore, #tpu.memory_space<semaphore_mem>>)
      } else {
      }
      %slice3A_99 = vector.extract_strided_slice %get3A_92 {offsets = [1], sizes = [1], strides = [1]} : vector<16xi32> to vector<1xi32>
      %squeeze3A_100 = vector.extract %slice3A_99[0] : i32 from vector<1xi32>
      %eq3A_101 = arith.constant 0 : i32
      %eq3A_102 = arith.cmpi eq, %squeeze3A_100, %eq3A_101 : i32
      %convert_element_type3A_103 = arith.extui %eq3A_102 : i1 to i32
      %cond3A_104 = arith.constant 0 : i32
      %cond3A_105 = arith.cmpi ne, %convert_element_type3A_103, %cond3A_104 : i32
      scf.if %cond3A_105 {
        %slice3A_331 = vector.extract_strided_slice %get3A_94 {offsets = [1], sizes = [1], strides = [1]} : vector<16xi32> to vector<1xi32>
        %squeeze3A_332 = vector.extract %slice3A_331[0] : i32 from vector<1xi32>
        %dma_start3A_333 = arith.constant 1 : i32
        %dma_start3A_334 = arith.constant 0 : i32
        %dma_start3A_335 = arith.constant 0 : i32
        %dma_start3A_336 = tpu.memref_slice %arg12[%rem3A_69, %dma_start3A_334, %dma_start3A_335] : memref<4x16x1024xf32, #tpu.memory_space<vmem>> -> memref<1x16x1024xf32, #tpu.memory_space<vmem>>
        %dma_start3A_337 = tpu.memref_squeeze %dma_start3A_336 : memref<1x16x1024xf32, #tpu.memory_space<vmem>> -> memref<16x1024xf32, #tpu.memory_space<vmem>>
        %dma_start3A_338 = arith.constant 0 : i32
        %dma_start3A_339 = tpu.memref_slice %dma_start3A_337[%dma_start3A_333, %dma_start3A_338] : memref<16x1024xf32, #tpu.memory_space<vmem>> -> memref<1x1024xf32, #tpu.memory_space<vmem>>
        %dma_start3A_340 = tpu.memref_squeeze %dma_start3A_339 : memref<1x1024xf32, #tpu.memory_space<vmem>> -> memref<1024xf32, #tpu.memory_space<vmem>>
        %dma_start3A_341 = arith.constant 0 : i32
        %dma_start3A_342 = tpu.memref_slice %arg11[%squeeze3A_332, %dma_start3A_341] : memref<64x1024xf32, #tpu.memory_space<vmem_shared>> -> memref<1x1024xf32, #tpu.memory_space<vmem_shared>>
        %dma_start3A_343 = tpu.memref_squeeze %dma_start3A_342 : memref<1x1024xf32, #tpu.memory_space<vmem_shared>> -> memref<1024xf32, #tpu.memory_space<vmem_shared>>
        %dma_start3A_344 = arith.constant 0 : i32
        %dma_start3A_345 = arith.constant 0 : i32
        %dma_start3A_346 = tpu.memref_slice %arg12[%rem3A_69, %dma_start3A_344, %dma_start3A_345] : memref<4x16x1024xf32, #tpu.memory_space<vmem>> -> memref<1x16x1024xf32, #tpu.memory_space<vmem>>
        %dma_start3A_347 = tpu.memref_squeeze %dma_start3A_346 : memref<1x16x1024xf32, #tpu.memory_space<vmem>> -> memref<16x1024xf32, #tpu.memory_space<vmem>>
        %dma_start3A_348 = arith.constant 0 : i32
        %dma_start3A_349 = tpu.memref_slice %dma_start3A_347[%dma_start3A_333, %dma_start3A_348] : memref<16x1024xf32, #tpu.memory_space<vmem>> -> memref<1x1024xf32, #tpu.memory_space<vmem>>
        %dma_start3A_350 = tpu.memref_squeeze %dma_start3A_349 : memref<1x1024xf32, #tpu.memory_space<vmem>> -> memref<1024xf32, #tpu.memory_space<vmem>>
        %dma_start3A_351 = arith.constant 0 : i32
        %dma_start3A_352 = tpu.memref_slice %arg11[%squeeze3A_332, %dma_start3A_351] : memref<64x1024xf32, #tpu.memory_space<vmem_shared>> -> memref<1x1024xf32, #tpu.memory_space<vmem_shared>>
        %dma_start3A_353 = tpu.memref_squeeze %dma_start3A_352 : memref<1x1024xf32, #tpu.memory_space<vmem_shared>> -> memref<1024xf32, #tpu.memory_space<vmem_shared>>
        tpu.enqueue_dma source(%dma_start3A_353 : memref<1024xf32, #tpu.memory_space<vmem_shared>>) target(%dma_start3A_350 : memref<1024xf32, #tpu.memory_space<vmem>>) target_semaphore(%arg15 : memref<!tpu.dma_semaphore, #tpu.memory_space<semaphore_mem>>)
      } else {
      }
      %slice3A_106 = vector.extract_strided_slice %get3A_92 {offsets = [2], sizes = [1], strides = [1]} : vector<16xi32> to vector<1xi32>
      %squeeze3A_107 = vector.extract %slice3A_106[0] : i32 from vector<1xi32>
      %eq3A_108 = arith.constant 0 : i32
      %eq3A_109 = arith.cmpi eq, %squeeze3A_107, %eq3A_108 : i32
      %convert_element_type3A_110 = arith.extui %eq3A_109 : i1 to i32
      %cond3A_111 = arith.constant 0 : i32
      %cond3A_112 = arith.cmpi ne, %convert_element_type3A_110, %cond3A_111 : i32
      scf.if %cond3A_112 {
        %slice3A_331 = vector.extract_strided_slice %get3A_94 {offsets = [2], sizes = [1], strides = [1]} : vector<16xi32> to vector<1xi32>
        %squeeze3A_332 = vector.extract %slice3A_331[0] : i32 from vector<1xi32>
        %dma_start3A_333 = arith.constant 2 : i32
        %dma_start3A_334 = arith.constant 0 : i32
        %dma_start3A_335 = arith.constant 0 : i32
        %dma_start3A_336 = tpu.memref_slice %arg12[%rem3A_69, %dma_start3A_334, %dma_start3A_335] : memref<4x16x1024xf32, #tpu.memory_space<vmem>> -> memref<1x16x1024xf32, #tpu.memory_space<vmem>>
        %dma_start3A_337 = tpu.memref_squeeze %dma_start3A_336 : memref<1x16x1024xf32, #tpu.memory_space<vmem>> -> memref<16x1024xf32, #tpu.memory_space<vmem>>
        %dma_start3A_338 = arith.constant 0 : i32
        %dma_start3A_339 = tpu.memref_slice %dma_start3A_337[%dma_start3A_333, %dma_start3A_338] : memref<16x1024xf32, #tpu.memory_space<vmem>> -> memref<1x1024xf32, #tpu.memory_space<vmem>>
        %dma_start3A_340 = tpu.memref_squeeze %dma_start3A_339 : memref<1x1024xf32, #tpu.memory_space<vmem>> -> memref<1024xf32, #tpu.memory_space<vmem>>
        %dma_start3A_341 = arith.constant 0 : i32
        %dma_start3A_342 = tpu.memref_slice %arg11[%squeeze3A_332, %dma_start3A_341] : memref<64x1024xf32, #tpu.memory_space<vmem_shared>> -> memref<1x1024xf32, #tpu.memory_space<vmem_shared>>
        %dma_start3A_343 = tpu.memref_squeeze %dma_start3A_342 : memref<1x1024xf32, #tpu.memory_space<vmem_shared>> -> memref<1024xf32, #tpu.memory_space<vmem_shared>>
        %dma_start3A_344 = arith.constant 0 : i32
        %dma_start3A_345 = arith.constant 0 : i32
        %dma_start3A_346 = tpu.memref_slice %arg12[%rem3A_69, %dma_start3A_344, %dma_start3A_345] : memref<4x16x1024xf32, #tpu.memory_space<vmem>> -> memref<1x16x1024xf32, #tpu.memory_space<vmem>>
        %dma_start3A_347 = tpu.memref_squeeze %dma_start3A_346 : memref<1x16x1024xf32, #tpu.memory_space<vmem>> -> memref<16x1024xf32, #tpu.memory_space<vmem>>
        %dma_start3A_348 = arith.constant 0 : i32
        %dma_start3A_349 = tpu.memref_slice %dma_start3A_347[%dma_start3A_333, %dma_start3A_348] : memref<16x1024xf32, #tpu.memory_space<vmem>> -> memref<1x1024xf32, #tpu.memory_space<vmem>>
        %dma_start3A_350 = tpu.memref_squeeze %dma_start3A_349 : memref<1x1024xf32, #tpu.memory_space<vmem>> -> memref<1024xf32, #tpu.memory_space<vmem>>
        %dma_start3A_351 = arith.constant 0 : i32
        %dma_start3A_352 = tpu.memref_slice %arg11[%squeeze3A_332, %dma_start3A_351] : memref<64x1024xf32, #tpu.memory_space<vmem_shared>> -> memref<1x1024xf32, #tpu.memory_space<vmem_shared>>
        %dma_start3A_353 = tpu.memref_squeeze %dma_start3A_352 : memref<1x1024xf32, #tpu.memory_space<vmem_shared>> -> memref<1024xf32, #tpu.memory_space<vmem_shared>>
        tpu.enqueue_dma source(%dma_start3A_353 : memref<1024xf32, #tpu.memory_space<vmem_shared>>) target(%dma_start3A_350 : memref<1024xf32, #tpu.memory_space<vmem>>) target_semaphore(%arg15 : memref<!tpu.dma_semaphore, #tpu.memory_space<semaphore_mem>>)
      } else {
      }
      %slice3A_113 = vector.extract_strided_slice %get3A_92 {offsets = [3], sizes = [1], strides = [1]} : vector<16xi32> to vector<1xi32>
      %squeeze3A_114 = vector.extract %slice3A_113[0] : i32 from vector<1xi32>
      %eq3A_115 = arith.constant 0 : i32
      %eq3A_116 = arith.cmpi eq, %squeeze3A_114, %eq3A_115 : i32
      %convert_element_type3A_117 = arith.extui %eq3A_116 : i1 to i32
      %cond3A_118 = arith.constant 0 : i32
      %cond3A_119 = arith.cmpi ne, %convert_element_type3A_117, %cond3A_118 : i32
      scf.if %cond3A_119 {
        %slice3A_331 = vector.extract_strided_slice %get3A_94 {offsets = [3], sizes = [1], strides = [1]} : vector<16xi32> to vector<1xi32>
        %squeeze3A_332 = vector.extract %slice3A_331[0] : i32 from vector<1xi32>
        %dma_start3A_333 = arith.constant 3 : i32
        %dma_start3A_334 = arith.constant 0 : i32
        %dma_start3A_335 = arith.constant 0 : i32
        %dma_start3A_336 = tpu.memref_slice %arg12[%rem3A_69, %dma_start3A_334, %dma_start3A_335] : memref<4x16x1024xf32, #tpu.memory_space<vmem>> -> memref<1x16x1024xf32, #tpu.memory_space<vmem>>
        %dma_start3A_337 = tpu.memref_squeeze %dma_start3A_336 : memref<1x16x1024xf32, #tpu.memory_space<vmem>> -> memref<16x1024xf32, #tpu.memory_space<vmem>>
        %dma_start3A_338 = arith.constant 0 : i32
        %dma_start3A_339 = tpu.memref_slice %dma_start3A_337[%dma_start3A_333, %dma_start3A_338] : memref<16x1024xf32, #tpu.memory_space<vmem>> -> memref<1x1024xf32, #tpu.memory_space<vmem>>
        %dma_start3A_340 = tpu.memref_squeeze %dma_start3A_339 : memref<1x1024xf32, #tpu.memory_space<vmem>> -> memref<1024xf32, #tpu.memory_space<vmem>>
        %dma_start3A_341 = arith.constant 0 : i32
        %dma_start3A_342 = tpu.memref_slice %arg11[%squeeze3A_332, %dma_start3A_341] : memref<64x1024xf32, #tpu.memory_space<vmem_shared>> -> memref<1x1024xf32, #tpu.memory_space<vmem_shared>>
        %dma_start3A_343 = tpu.memref_squeeze %dma_start3A_342 : memref<1x1024xf32, #tpu.memory_space<vmem_shared>> -> memref<1024xf32, #tpu.memory_space<vmem_shared>>
        %dma_start3A_344 = arith.constant 0 : i32
        %dma_start3A_345 = arith.constant 0 : i32
        %dma_start3A_346 = tpu.memref_slice %arg12[%rem3A_69, %dma_start3A_344, %dma_start3A_345] : memref<4x16x1024xf32, #tpu.memory_space<vmem>> -> memref<1x16x1024xf32, #tpu.memory_space<vmem>>
        %dma_start3A_347 = tpu.memref_squeeze %dma_start3A_346 : memref<1x16x1024xf32, #tpu.memory_space<vmem>> -> memref<16x1024xf32, #tpu.memory_space<vmem>>
        %dma_start3A_348 = arith.constant 0 : i32
        %dma_start3A_349 = tpu.memref_slice %dma_start3A_347[%dma_start3A_333, %dma_start3A_348] : memref<16x1024xf32, #tpu.memory_space<vmem>> -> memref<1x1024xf32, #tpu.memory_space<vmem>>
        %dma_start3A_350 = tpu.memref_squeeze %dma_start3A_349 : memref<1x1024xf32, #tpu.memory_space<vmem>> -> memref<1024xf32, #tpu.memory_space<vmem>>
        %dma_start3A_351 = arith.constant 0 : i32
        %dma_start3A_352 = tpu.memref_slice %arg11[%squeeze3A_332, %dma_start3A_351] : memref<64x1024xf32, #tpu.memory_space<vmem_shared>> -> memref<1x1024xf32, #tpu.memory_space<vmem_shared>>
        %dma_start3A_353 = tpu.memref_squeeze %dma_start3A_352 : memref<1x1024xf32, #tpu.memory_space<vmem_shared>> -> memref<1024xf32, #tpu.memory_space<vmem_shared>>
        tpu.enqueue_dma source(%dma_start3A_353 : memref<1024xf32, #tpu.memory_space<vmem_shared>>) target(%dma_start3A_350 : memref<1024xf32, #tpu.memory_space<vmem>>) target_semaphore(%arg15 : memref<!tpu.dma_semaphore, #tpu.memory_space<semaphore_mem>>)
      } else {
      }
      %slice3A_120 = vector.extract_strided_slice %get3A_92 {offsets = [4], sizes = [1], strides = [1]} : vector<16xi32> to vector<1xi32>
      %squeeze3A_121 = vector.extract %slice3A_120[0] : i32 from vector<1xi32>
      %eq3A_122 = arith.constant 0 : i32
      %eq3A_123 = arith.cmpi eq, %squeeze3A_121, %eq3A_122 : i32
      %convert_element_type3A_124 = arith.extui %eq3A_123 : i1 to i32
      %cond3A_125 = arith.constant 0 : i32
      %cond3A_126 = arith.cmpi ne, %convert_element_type3A_124, %cond3A_125 : i32
      scf.if %cond3A_126 {
        %slice3A_331 = vector.extract_strided_slice %get3A_94 {offsets = [4], sizes = [1], strides = [1]} : vector<16xi32> to vector<1xi32>
        %squeeze3A_332 = vector.extract %slice3A_331[0] : i32 from vector<1xi32>
        %dma_start3A_333 = arith.constant 4 : i32
        %dma_start3A_334 = arith.constant 0 : i32
        %dma_start3A_335 = arith.constant 0 : i32
        %dma_start3A_336 = tpu.memref_slice %arg12[%rem3A_69, %dma_start3A_334, %dma_start3A_335] : memref<4x16x1024xf32, #tpu.memory_space<vmem>> -> memref<1x16x1024xf32, #tpu.memory_space<vmem>>
        %dma_start3A_337 = tpu.memref_squeeze %dma_start3A_336 : memref<1x16x1024xf32, #tpu.memory_space<vmem>> -> memref<16x1024xf32, #tpu.memory_space<vmem>>
        %dma_start3A_338 = arith.constant 0 : i32
        %dma_start3A_339 = tpu.memref_slice %dma_start3A_337[%dma_start3A_333, %dma_start3A_338] : memref<16x1024xf32, #tpu.memory_space<vmem>> -> memref<1x1024xf32, #tpu.memory_space<vmem>>
        %dma_start3A_340 = tpu.memref_squeeze %dma_start3A_339 : memref<1x1024xf32, #tpu.memory_space<vmem>> -> memref<1024xf32, #tpu.memory_space<vmem>>
        %dma_start3A_341 = arith.constant 0 : i32
        %dma_start3A_342 = tpu.memref_slice %arg11[%squeeze3A_332, %dma_start3A_341] : memref<64x1024xf32, #tpu.memory_space<vmem_shared>> -> memref<1x1024xf32, #tpu.memory_space<vmem_shared>>
        %dma_start3A_343 = tpu.memref_squeeze %dma_start3A_342 : memref<1x1024xf32, #tpu.memory_space<vmem_shared>> -> memref<1024xf32, #tpu.memory_space<vmem_shared>>
        %dma_start3A_344 = arith.constant 0 : i32
        %dma_start3A_345 = arith.constant 0 : i32
        %dma_start3A_346 = tpu.memref_slice %arg12[%rem3A_69, %dma_start3A_344, %dma_start3A_345] : memref<4x16x1024xf32, #tpu.memory_space<vmem>> -> memref<1x16x1024xf32, #tpu.memory_space<vmem>>
        %dma_start3A_347 = tpu.memref_squeeze %dma_start3A_346 : memref<1x16x1024xf32, #tpu.memory_space<vmem>> -> memref<16x1024xf32, #tpu.memory_space<vmem>>
        %dma_start3A_348 = arith.constant 0 : i32
        %dma_start3A_349 = tpu.memref_slice %dma_start3A_347[%dma_start3A_333, %dma_start3A_348] : memref<16x1024xf32, #tpu.memory_space<vmem>> -> memref<1x1024xf32, #tpu.memory_space<vmem>>
        %dma_start3A_350 = tpu.memref_squeeze %dma_start3A_349 : memref<1x1024xf32, #tpu.memory_space<vmem>> -> memref<1024xf32, #tpu.memory_space<vmem>>
        %dma_start3A_351 = arith.constant 0 : i32
        %dma_start3A_352 = tpu.memref_slice %arg11[%squeeze3A_332, %dma_start3A_351] : memref<64x1024xf32, #tpu.memory_space<vmem_shared>> -> memref<1x1024xf32, #tpu.memory_space<vmem_shared>>
        %dma_start3A_353 = tpu.memref_squeeze %dma_start3A_352 : memref<1x1024xf32, #tpu.memory_space<vmem_shared>> -> memref<1024xf32, #tpu.memory_space<vmem_shared>>
        tpu.enqueue_dma source(%dma_start3A_353 : memref<1024xf32, #tpu.memory_space<vmem_shared>>) target(%dma_start3A_350 : memref<1024xf32, #tpu.memory_space<vmem>>) target_semaphore(%arg15 : memref<!tpu.dma_semaphore, #tpu.memory_space<semaphore_mem>>)
      } else {
      }
      %slice3A_127 = vector.extract_strided_slice %get3A_92 {offsets = [5], sizes = [1], strides = [1]} : vector<16xi32> to vector<1xi32>
      %squeeze3A_128 = vector.extract %slice3A_127[0] : i32 from vector<1xi32>
      %eq3A_129 = arith.constant 0 : i32
      %eq3A_130 = arith.cmpi eq, %squeeze3A_128, %eq3A_129 : i32
      %convert_element_type3A_131 = arith.extui %eq3A_130 : i1 to i32
      %cond3A_132 = arith.constant 0 : i32
      %cond3A_133 = arith.cmpi ne, %convert_element_type3A_131, %cond3A_132 : i32
      scf.if %cond3A_133 {
        %slice3A_331 = vector.extract_strided_slice %get3A_94 {offsets = [5], sizes = [1], strides = [1]} : vector<16xi32> to vector<1xi32>
        %squeeze3A_332 = vector.extract %slice3A_331[0] : i32 from vector<1xi32>
        %dma_start3A_333 = arith.constant 5 : i32
        %dma_start3A_334 = arith.constant 0 : i32
        %dma_start3A_335 = arith.constant 0 : i32
        %dma_start3A_336 = tpu.memref_slice %arg12[%rem3A_69, %dma_start3A_334, %dma_start3A_335] : memref<4x16x1024xf32, #tpu.memory_space<vmem>> -> memref<1x16x1024xf32, #tpu.memory_space<vmem>>
        %dma_start3A_337 = tpu.memref_squeeze %dma_start3A_336 : memref<1x16x1024xf32, #tpu.memory_space<vmem>> -> memref<16x1024xf32, #tpu.memory_space<vmem>>
        %dma_start3A_338 = arith.constant 0 : i32
        %dma_start3A_339 = tpu.memref_slice %dma_start3A_337[%dma_start3A_333, %dma_start3A_338] : memref<16x1024xf32, #tpu.memory_space<vmem>> -> memref<1x1024xf32, #tpu.memory_space<vmem>>
        %dma_start3A_340 = tpu.memref_squeeze %dma_start3A_339 : memref<1x1024xf32, #tpu.memory_space<vmem>> -> memref<1024xf32, #tpu.memory_space<vmem>>
        %dma_start3A_341 = arith.constant 0 : i32
        %dma_start3A_342 = tpu.memref_slice %arg11[%squeeze3A_332, %dma_start3A_341] : memref<64x1024xf32, #tpu.memory_space<vmem_shared>> -> memref<1x1024xf32, #tpu.memory_space<vmem_shared>>
        %dma_start3A_343 = tpu.memref_squeeze %dma_start3A_342 : memref<1x1024xf32, #tpu.memory_space<vmem_shared>> -> memref<1024xf32, #tpu.memory_space<vmem_shared>>
        %dma_start3A_344 = arith.constant 0 : i32
        %dma_start3A_345 = arith.constant 0 : i32
        %dma_start3A_346 = tpu.memref_slice %arg12[%rem3A_69, %dma_start3A_344, %dma_start3A_345] : memref<4x16x1024xf32, #tpu.memory_space<vmem>> -> memref<1x16x1024xf32, #tpu.memory_space<vmem>>
        %dma_start3A_347 = tpu.memref_squeeze %dma_start3A_346 : memref<1x16x1024xf32, #tpu.memory_space<vmem>> -> memref<16x1024xf32, #tpu.memory_space<vmem>>
        %dma_start3A_348 = arith.constant 0 : i32
        %dma_start3A_349 = tpu.memref_slice %dma_start3A_347[%dma_start3A_333, %dma_start3A_348] : memref<16x1024xf32, #tpu.memory_space<vmem>> -> memref<1x1024xf32, #tpu.memory_space<vmem>>
        %dma_start3A_350 = tpu.memref_squeeze %dma_start3A_349 : memref<1x1024xf32, #tpu.memory_space<vmem>> -> memref<1024xf32, #tpu.memory_space<vmem>>
        %dma_start3A_351 = arith.constant 0 : i32
        %dma_start3A_352 = tpu.memref_slice %arg11[%squeeze3A_332, %dma_start3A_351] : memref<64x1024xf32, #tpu.memory_space<vmem_shared>> -> memref<1x1024xf32, #tpu.memory_space<vmem_shared>>
        %dma_start3A_353 = tpu.memref_squeeze %dma_start3A_352 : memref<1x1024xf32, #tpu.memory_space<vmem_shared>> -> memref<1024xf32, #tpu.memory_space<vmem_shared>>
        tpu.enqueue_dma source(%dma_start3A_353 : memref<1024xf32, #tpu.memory_space<vmem_shared>>) target(%dma_start3A_350 : memref<1024xf32, #tpu.memory_space<vmem>>) target_semaphore(%arg15 : memref<!tpu.dma_semaphore, #tpu.memory_space<semaphore_mem>>)
      } else {
      }
      %slice3A_134 = vector.extract_strided_slice %get3A_92 {offsets = [6], sizes = [1], strides = [1]} : vector<16xi32> to vector<1xi32>
      %squeeze3A_135 = vector.extract %slice3A_134[0] : i32 from vector<1xi32>
      %eq3A_136 = arith.constant 0 : i32
      %eq3A_137 = arith.cmpi eq, %squeeze3A_135, %eq3A_136 : i32
      %convert_element_type3A_138 = arith.extui %eq3A_137 : i1 to i32
      %cond3A_139 = arith.constant 0 : i32
      %cond3A_140 = arith.cmpi ne, %convert_element_type3A_138, %cond3A_139 : i32
      scf.if %cond3A_140 {
        %slice3A_331 = vector.extract_strided_slice %get3A_94 {offsets = [6], sizes = [1], strides = [1]} : vector<16xi32> to vector<1xi32>
        %squeeze3A_332 = vector.extract %slice3A_331[0] : i32 from vector<1xi32>
        %dma_start3A_333 = arith.constant 6 : i32
        %dma_start3A_334 = arith.constant 0 : i32
        %dma_start3A_335 = arith.constant 0 : i32
        %dma_start3A_336 = tpu.memref_slice %arg12[%rem3A_69, %dma_start3A_334, %dma_start3A_335] : memref<4x16x1024xf32, #tpu.memory_space<vmem>> -> memref<1x16x1024xf32, #tpu.memory_space<vmem>>
        %dma_start3A_337 = tpu.memref_squeeze %dma_start3A_336 : memref<1x16x1024xf32, #tpu.memory_space<vmem>> -> memref<16x1024xf32, #tpu.memory_space<vmem>>
        %dma_start3A_338 = arith.constant 0 : i32
        %dma_start3A_339 = tpu.memref_slice %dma_start3A_337[%dma_start3A_333, %dma_start3A_338] : memref<16x1024xf32, #tpu.memory_space<vmem>> -> memref<1x1024xf32, #tpu.memory_space<vmem>>
        %dma_start3A_340 = tpu.memref_squeeze %dma_start3A_339 : memref<1x1024xf32, #tpu.memory_space<vmem>> -> memref<1024xf32, #tpu.memory_space<vmem>>
        %dma_start3A_341 = arith.constant 0 : i32
        %dma_start3A_342 = tpu.memref_slice %arg11[%squeeze3A_332, %dma_start3A_341] : memref<64x1024xf32, #tpu.memory_space<vmem_shared>> -> memref<1x1024xf32, #tpu.memory_space<vmem_shared>>
        %dma_start3A_343 = tpu.memref_squeeze %dma_start3A_342 : memref<1x1024xf32, #tpu.memory_space<vmem_shared>> -> memref<1024xf32, #tpu.memory_space<vmem_shared>>
        %dma_start3A_344 = arith.constant 0 : i32
        %dma_start3A_345 = arith.constant 0 : i32
        %dma_start3A_346 = tpu.memref_slice %arg12[%rem3A_69, %dma_start3A_344, %dma_start3A_345] : memref<4x16x1024xf32, #tpu.memory_space<vmem>> -> memref<1x16x1024xf32, #tpu.memory_space<vmem>>
        %dma_start3A_347 = tpu.memref_squeeze %dma_start3A_346 : memref<1x16x1024xf32, #tpu.memory_space<vmem>> -> memref<16x1024xf32, #tpu.memory_space<vmem>>
        %dma_start3A_348 = arith.constant 0 : i32
        %dma_start3A_349 = tpu.memref_slice %dma_start3A_347[%dma_start3A_333, %dma_start3A_348] : memref<16x1024xf32, #tpu.memory_space<vmem>> -> memref<1x1024xf32, #tpu.memory_space<vmem>>
        %dma_start3A_350 = tpu.memref_squeeze %dma_start3A_349 : memref<1x1024xf32, #tpu.memory_space<vmem>> -> memref<1024xf32, #tpu.memory_space<vmem>>
        %dma_start3A_351 = arith.constant 0 : i32
        %dma_start3A_352 = tpu.memref_slice %arg11[%squeeze3A_332, %dma_start3A_351] : memref<64x1024xf32, #tpu.memory_space<vmem_shared>> -> memref<1x1024xf32, #tpu.memory_space<vmem_shared>>
        %dma_start3A_353 = tpu.memref_squeeze %dma_start3A_352 : memref<1x1024xf32, #tpu.memory_space<vmem_shared>> -> memref<1024xf32, #tpu.memory_space<vmem_shared>>
        tpu.enqueue_dma source(%dma_start3A_353 : memref<1024xf32, #tpu.memory_space<vmem_shared>>) target(%dma_start3A_350 : memref<1024xf32, #tpu.memory_space<vmem>>) target_semaphore(%arg15 : memref<!tpu.dma_semaphore, #tpu.memory_space<semaphore_mem>>)
      } else {
      }
      %slice3A_141 = vector.extract_strided_slice %get3A_92 {offsets = [7], sizes = [1], strides = [1]} : vector<16xi32> to vector<1xi32>
      %squeeze3A_142 = vector.extract %slice3A_141[0] : i32 from vector<1xi32>
      %eq3A_143 = arith.constant 0 : i32
      %eq3A_144 = arith.cmpi eq, %squeeze3A_142, %eq3A_143 : i32
      %convert_element_type3A_145 = arith.extui %eq3A_144 : i1 to i32
      %cond3A_146 = arith.constant 0 : i32
      %cond3A_147 = arith.cmpi ne, %convert_element_type3A_145, %cond3A_146 : i32
      scf.if %cond3A_147 {
        %slice3A_331 = vector.extract_strided_slice %get3A_94 {offsets = [7], sizes = [1], strides = [1]} : vector<16xi32> to vector<1xi32>
        %squeeze3A_332 = vector.extract %slice3A_331[0] : i32 from vector<1xi32>
        %dma_start3A_333 = arith.constant 7 : i32
        %dma_start3A_334 = arith.constant 0 : i32
        %dma_start3A_335 = arith.constant 0 : i32
        %dma_start3A_336 = tpu.memref_slice %arg12[%rem3A_69, %dma_start3A_334, %dma_start3A_335] : memref<4x16x1024xf32, #tpu.memory_space<vmem>> -> memref<1x16x1024xf32, #tpu.memory_space<vmem>>
        %dma_start3A_337 = tpu.memref_squeeze %dma_start3A_336 : memref<1x16x1024xf32, #tpu.memory_space<vmem>> -> memref<16x1024xf32, #tpu.memory_space<vmem>>
        %dma_start3A_338 = arith.constant 0 : i32
        %dma_start3A_339 = tpu.memref_slice %dma_start3A_337[%dma_start3A_333, %dma_start3A_338] : memref<16x1024xf32, #tpu.memory_space<vmem>> -> memref<1x1024xf32, #tpu.memory_space<vmem>>
        %dma_start3A_340 = tpu.memref_squeeze %dma_start3A_339 : memref<1x1024xf32, #tpu.memory_space<vmem>> -> memref<1024xf32, #tpu.memory_space<vmem>>
        %dma_start3A_341 = arith.constant 0 : i32
        %dma_start3A_342 = tpu.memref_slice %arg11[%squeeze3A_332, %dma_start3A_341] : memref<64x1024xf32, #tpu.memory_space<vmem_shared>> -> memref<1x1024xf32, #tpu.memory_space<vmem_shared>>
        %dma_start3A_343 = tpu.memref_squeeze %dma_start3A_342 : memref<1x1024xf32, #tpu.memory_space<vmem_shared>> -> memref<1024xf32, #tpu.memory_space<vmem_shared>>
        %dma_start3A_344 = arith.constant 0 : i32
        %dma_start3A_345 = arith.constant 0 : i32
        %dma_start3A_346 = tpu.memref_slice %arg12[%rem3A_69, %dma_start3A_344, %dma_start3A_345] : memref<4x16x1024xf32, #tpu.memory_space<vmem>> -> memref<1x16x1024xf32, #tpu.memory_space<vmem>>
        %dma_start3A_347 = tpu.memref_squeeze %dma_start3A_346 : memref<1x16x1024xf32, #tpu.memory_space<vmem>> -> memref<16x1024xf32, #tpu.memory_space<vmem>>
        %dma_start3A_348 = arith.constant 0 : i32
        %dma_start3A_349 = tpu.memref_slice %dma_start3A_347[%dma_start3A_333, %dma_start3A_348] : memref<16x1024xf32, #tpu.memory_space<vmem>> -> memref<1x1024xf32, #tpu.memory_space<vmem>>
        %dma_start3A_350 = tpu.memref_squeeze %dma_start3A_349 : memref<1x1024xf32, #tpu.memory_space<vmem>> -> memref<1024xf32, #tpu.memory_space<vmem>>
        %dma_start3A_351 = arith.constant 0 : i32
        %dma_start3A_352 = tpu.memref_slice %arg11[%squeeze3A_332, %dma_start3A_351] : memref<64x1024xf32, #tpu.memory_space<vmem_shared>> -> memref<1x1024xf32, #tpu.memory_space<vmem_shared>>
        %dma_start3A_353 = tpu.memref_squeeze %dma_start3A_352 : memref<1x1024xf32, #tpu.memory_space<vmem_shared>> -> memref<1024xf32, #tpu.memory_space<vmem_shared>>
        tpu.enqueue_dma source(%dma_start3A_353 : memref<1024xf32, #tpu.memory_space<vmem_shared>>) target(%dma_start3A_350 : memref<1024xf32, #tpu.memory_space<vmem>>) target_semaphore(%arg15 : memref<!tpu.dma_semaphore, #tpu.memory_space<semaphore_mem>>)
      } else {
      }
      %slice3A_148 = vector.extract_strided_slice %get3A_92 {offsets = [8], sizes = [1], strides = [1]} : vector<16xi32> to vector<1xi32>
      %squeeze3A_149 = vector.extract %slice3A_148[0] : i32 from vector<1xi32>
      %eq3A_150 = arith.constant 0 : i32
      %eq3A_151 = arith.cmpi eq, %squeeze3A_149, %eq3A_150 : i32
      %convert_element_type3A_152 = arith.extui %eq3A_151 : i1 to i32
      %cond3A_153 = arith.constant 0 : i32
      %cond3A_154 = arith.cmpi ne, %convert_element_type3A_152, %cond3A_153 : i32
      scf.if %cond3A_154 {
        %slice3A_331 = vector.extract_strided_slice %get3A_94 {offsets = [8], sizes = [1], strides = [1]} : vector<16xi32> to vector<1xi32>
        %squeeze3A_332 = vector.extract %slice3A_331[0] : i32 from vector<1xi32>
        %dma_start3A_333 = arith.constant 8 : i32
        %dma_start3A_334 = arith.constant 0 : i32
        %dma_start3A_335 = arith.constant 0 : i32
        %dma_start3A_336 = tpu.memref_slice %arg12[%rem3A_69, %dma_start3A_334, %dma_start3A_335] : memref<4x16x1024xf32, #tpu.memory_space<vmem>> -> memref<1x16x1024xf32, #tpu.memory_space<vmem>>
        %dma_start3A_337 = tpu.memref_squeeze %dma_start3A_336 : memref<1x16x1024xf32, #tpu.memory_space<vmem>> -> memref<16x1024xf32, #tpu.memory_space<vmem>>
        %dma_start3A_338 = arith.constant 0 : i32
        %dma_start3A_339 = tpu.memref_slice %dma_start3A_337[%dma_start3A_333, %dma_start3A_338] : memref<16x1024xf32, #tpu.memory_space<vmem>> -> memref<1x1024xf32, #tpu.memory_space<vmem>>
        %dma_start3A_340 = tpu.memref_squeeze %dma_start3A_339 : memref<1x1024xf32, #tpu.memory_space<vmem>> -> memref<1024xf32, #tpu.memory_space<vmem>>
        %dma_start3A_341 = arith.constant 0 : i32
        %dma_start3A_342 = tpu.memref_slice %arg11[%squeeze3A_332, %dma_start3A_341] : memref<64x1024xf32, #tpu.memory_space<vmem_shared>> -> memref<1x1024xf32, #tpu.memory_space<vmem_shared>>
        %dma_start3A_343 = tpu.memref_squeeze %dma_start3A_342 : memref<1x1024xf32, #tpu.memory_space<vmem_shared>> -> memref<1024xf32, #tpu.memory_space<vmem_shared>>
        %dma_start3A_344 = arith.constant 0 : i32
        %dma_start3A_345 = arith.constant 0 : i32
        %dma_start3A_346 = tpu.memref_slice %arg12[%rem3A_69, %dma_start3A_344, %dma_start3A_345] : memref<4x16x1024xf32, #tpu.memory_space<vmem>> -> memref<1x16x1024xf32, #tpu.memory_space<vmem>>
        %dma_start3A_347 = tpu.memref_squeeze %dma_start3A_346 : memref<1x16x1024xf32, #tpu.memory_space<vmem>> -> memref<16x1024xf32, #tpu.memory_space<vmem>>
        %dma_start3A_348 = arith.constant 0 : i32
        %dma_start3A_349 = tpu.memref_slice %dma_start3A_347[%dma_start3A_333, %dma_start3A_348] : memref<16x1024xf32, #tpu.memory_space<vmem>> -> memref<1x1024xf32, #tpu.memory_space<vmem>>
        %dma_start3A_350 = tpu.memref_squeeze %dma_start3A_349 : memref<1x1024xf32, #tpu.memory_space<vmem>> -> memref<1024xf32, #tpu.memory_space<vmem>>
        %dma_start3A_351 = arith.constant 0 : i32
        %dma_start3A_352 = tpu.memref_slice %arg11[%squeeze3A_332, %dma_start3A_351] : memref<64x1024xf32, #tpu.memory_space<vmem_shared>> -> memref<1x1024xf32, #tpu.memory_space<vmem_shared>>
        %dma_start3A_353 = tpu.memref_squeeze %dma_start3A_352 : memref<1x1024xf32, #tpu.memory_space<vmem_shared>> -> memref<1024xf32, #tpu.memory_space<vmem_shared>>
        tpu.enqueue_dma source(%dma_start3A_353 : memref<1024xf32, #tpu.memory_space<vmem_shared>>) target(%dma_start3A_350 : memref<1024xf32, #tpu.memory_space<vmem>>) target_semaphore(%arg15 : memref<!tpu.dma_semaphore, #tpu.memory_space<semaphore_mem>>)
      } else {
      }
      %slice3A_155 = vector.extract_strided_slice %get3A_92 {offsets = [9], sizes = [1], strides = [1]} : vector<16xi32> to vector<1xi32>
      %squeeze3A_156 = vector.extract %slice3A_155[0] : i32 from vector<1xi32>
      %eq3A_157 = arith.constant 0 : i32
      %eq3A_158 = arith.cmpi eq, %squeeze3A_156, %eq3A_157 : i32
      %convert_element_type3A_159 = arith.extui %eq3A_158 : i1 to i32
      %cond3A_160 = arith.constant 0 : i32
      %cond3A_161 = arith.cmpi ne, %convert_element_type3A_159, %cond3A_160 : i32
      scf.if %cond3A_161 {
        %slice3A_331 = vector.extract_strided_slice %get3A_94 {offsets = [9], sizes = [1], strides = [1]} : vector<16xi32> to vector<1xi32>
        %squeeze3A_332 = vector.extract %slice3A_331[0] : i32 from vector<1xi32>
        %dma_start3A_333 = arith.constant 9 : i32
        %dma_start3A_334 = arith.constant 0 : i32
        %dma_start3A_335 = arith.constant 0 : i32
        %dma_start3A_336 = tpu.memref_slice %arg12[%rem3A_69, %dma_start3A_334, %dma_start3A_335] : memref<4x16x1024xf32, #tpu.memory_space<vmem>> -> memref<1x16x1024xf32, #tpu.memory_space<vmem>>
        %dma_start3A_337 = tpu.memref_squeeze %dma_start3A_336 : memref<1x16x1024xf32, #tpu.memory_space<vmem>> -> memref<16x1024xf32, #tpu.memory_space<vmem>>
        %dma_start3A_338 = arith.constant 0 : i32
        %dma_start3A_339 = tpu.memref_slice %dma_start3A_337[%dma_start3A_333, %dma_start3A_338] : memref<16x1024xf32, #tpu.memory_space<vmem>> -> memref<1x1024xf32, #tpu.memory_space<vmem>>
        %dma_start3A_340 = tpu.memref_squeeze %dma_start3A_339 : memref<1x1024xf32, #tpu.memory_space<vmem>> -> memref<1024xf32, #tpu.memory_space<vmem>>
        %dma_start3A_341 = arith.constant 0 : i32
        %dma_start3A_342 = tpu.memref_slice %arg11[%squeeze3A_332, %dma_start3A_341] : memref<64x1024xf32, #tpu.memory_space<vmem_shared>> -> memref<1x1024xf32, #tpu.memory_space<vmem_shared>>
        %dma_start3A_343 = tpu.memref_squeeze %dma_start3A_342 : memref<1x1024xf32, #tpu.memory_space<vmem_shared>> -> memref<1024xf32, #tpu.memory_space<vmem_shared>>
        %dma_start3A_344 = arith.constant 0 : i32
        %dma_start3A_345 = arith.constant 0 : i32
        %dma_start3A_346 = tpu.memref_slice %arg12[%rem3A_69, %dma_start3A_344, %dma_start3A_345] : memref<4x16x1024xf32, #tpu.memory_space<vmem>> -> memref<1x16x1024xf32, #tpu.memory_space<vmem>>
        %dma_start3A_347 = tpu.memref_squeeze %dma_start3A_346 : memref<1x16x1024xf32, #tpu.memory_space<vmem>> -> memref<16x1024xf32, #tpu.memory_space<vmem>>
        %dma_start3A_348 = arith.constant 0 : i32
        %dma_start3A_349 = tpu.memref_slice %dma_start3A_347[%dma_start3A_333, %dma_start3A_348] : memref<16x1024xf32, #tpu.memory_space<vmem>> -> memref<1x1024xf32, #tpu.memory_space<vmem>>
        %dma_start3A_350 = tpu.memref_squeeze %dma_start3A_349 : memref<1x1024xf32, #tpu.memory_space<vmem>> -> memref<1024xf32, #tpu.memory_space<vmem>>
        %dma_start3A_351 = arith.constant 0 : i32
        %dma_start3A_352 = tpu.memref_slice %arg11[%squeeze3A_332, %dma_start3A_351] : memref<64x1024xf32, #tpu.memory_space<vmem_shared>> -> memref<1x1024xf32, #tpu.memory_space<vmem_shared>>
        %dma_start3A_353 = tpu.memref_squeeze %dma_start3A_352 : memref<1x1024xf32, #tpu.memory_space<vmem_shared>> -> memref<1024xf32, #tpu.memory_space<vmem_shared>>
        tpu.enqueue_dma source(%dma_start3A_353 : memref<1024xf32, #tpu.memory_space<vmem_shared>>) target(%dma_start3A_350 : memref<1024xf32, #tpu.memory_space<vmem>>) target_semaphore(%arg15 : memref<!tpu.dma_semaphore, #tpu.memory_space<semaphore_mem>>)
      } else {
      }
      %slice3A_162 = vector.extract_strided_slice %get3A_92 {offsets = [10], sizes = [1], strides = [1]} : vector<16xi32> to vector<1xi32>
      %squeeze3A_163 = vector.extract %slice3A_162[0] : i32 from vector<1xi32>
      %eq3A_164 = arith.constant 0 : i32
      %eq3A_165 = arith.cmpi eq, %squeeze3A_163, %eq3A_164 : i32
      %convert_element_type3A_166 = arith.extui %eq3A_165 : i1 to i32
      %cond3A_167 = arith.constant 0 : i32
      %cond3A_168 = arith.cmpi ne, %convert_element_type3A_166, %cond3A_167 : i32
      scf.if %cond3A_168 {
        %slice3A_331 = vector.extract_strided_slice %get3A_94 {offsets = [10], sizes = [1], strides = [1]} : vector<16xi32> to vector<1xi32>
        %squeeze3A_332 = vector.extract %slice3A_331[0] : i32 from vector<1xi32>
        %dma_start3A_333 = arith.constant 10 : i32
        %dma_start3A_334 = arith.constant 0 : i32
        %dma_start3A_335 = arith.constant 0 : i32
        %dma_start3A_336 = tpu.memref_slice %arg12[%rem3A_69, %dma_start3A_334, %dma_start3A_335] : memref<4x16x1024xf32, #tpu.memory_space<vmem>> -> memref<1x16x1024xf32, #tpu.memory_space<vmem>>
        %dma_start3A_337 = tpu.memref_squeeze %dma_start3A_336 : memref<1x16x1024xf32, #tpu.memory_space<vmem>> -> memref<16x1024xf32, #tpu.memory_space<vmem>>
        %dma_start3A_338 = arith.constant 0 : i32
        %dma_start3A_339 = tpu.memref_slice %dma_start3A_337[%dma_start3A_333, %dma_start3A_338] : memref<16x1024xf32, #tpu.memory_space<vmem>> -> memref<1x1024xf32, #tpu.memory_space<vmem>>
        %dma_start3A_340 = tpu.memref_squeeze %dma_start3A_339 : memref<1x1024xf32, #tpu.memory_space<vmem>> -> memref<1024xf32, #tpu.memory_space<vmem>>
        %dma_start3A_341 = arith.constant 0 : i32
        %dma_start3A_342 = tpu.memref_slice %arg11[%squeeze3A_332, %dma_start3A_341] : memref<64x1024xf32, #tpu.memory_space<vmem_shared>> -> memref<1x1024xf32, #tpu.memory_space<vmem_shared>>
        %dma_start3A_343 = tpu.memref_squeeze %dma_start3A_342 : memref<1x1024xf32, #tpu.memory_space<vmem_shared>> -> memref<1024xf32, #tpu.memory_space<vmem_shared>>
        %dma_start3A_344 = arith.constant 0 : i32
        %dma_start3A_345 = arith.constant 0 : i32
        %dma_start3A_346 = tpu.memref_slice %arg12[%rem3A_69, %dma_start3A_344, %dma_start3A_345] : memref<4x16x1024xf32, #tpu.memory_space<vmem>> -> memref<1x16x1024xf32, #tpu.memory_space<vmem>>
        %dma_start3A_347 = tpu.memref_squeeze %dma_start3A_346 : memref<1x16x1024xf32, #tpu.memory_space<vmem>> -> memref<16x1024xf32, #tpu.memory_space<vmem>>
        %dma_start3A_348 = arith.constant 0 : i32
        %dma_start3A_349 = tpu.memref_slice %dma_start3A_347[%dma_start3A_333, %dma_start3A_348] : memref<16x1024xf32, #tpu.memory_space<vmem>> -> memref<1x1024xf32, #tpu.memory_space<vmem>>
        %dma_start3A_350 = tpu.memref_squeeze %dma_start3A_349 : memref<1x1024xf32, #tpu.memory_space<vmem>> -> memref<1024xf32, #tpu.memory_space<vmem>>
        %dma_start3A_351 = arith.constant 0 : i32
        %dma_start3A_352 = tpu.memref_slice %arg11[%squeeze3A_332, %dma_start3A_351] : memref<64x1024xf32, #tpu.memory_space<vmem_shared>> -> memref<1x1024xf32, #tpu.memory_space<vmem_shared>>
        %dma_start3A_353 = tpu.memref_squeeze %dma_start3A_352 : memref<1x1024xf32, #tpu.memory_space<vmem_shared>> -> memref<1024xf32, #tpu.memory_space<vmem_shared>>
        tpu.enqueue_dma source(%dma_start3A_353 : memref<1024xf32, #tpu.memory_space<vmem_shared>>) target(%dma_start3A_350 : memref<1024xf32, #tpu.memory_space<vmem>>) target_semaphore(%arg15 : memref<!tpu.dma_semaphore, #tpu.memory_space<semaphore_mem>>)
      } else {
      }
      %slice3A_169 = vector.extract_strided_slice %get3A_92 {offsets = [11], sizes = [1], strides = [1]} : vector<16xi32> to vector<1xi32>
      %squeeze3A_170 = vector.extract %slice3A_169[0] : i32 from vector<1xi32>
      %eq3A_171 = arith.constant 0 : i32
      %eq3A_172 = arith.cmpi eq, %squeeze3A_170, %eq3A_171 : i32
      %convert_element_type3A_173 = arith.extui %eq3A_172 : i1 to i32
      %cond3A_174 = arith.constant 0 : i32
      %cond3A_175 = arith.cmpi ne, %convert_element_type3A_173, %cond3A_174 : i32
      scf.if %cond3A_175 {
        %slice3A_331 = vector.extract_strided_slice %get3A_94 {offsets = [11], sizes = [1], strides = [1]} : vector<16xi32> to vector<1xi32>
        %squeeze3A_332 = vector.extract %slice3A_331[0] : i32 from vector<1xi32>
        %dma_start3A_333 = arith.constant 11 : i32
        %dma_start3A_334 = arith.constant 0 : i32
        %dma_start3A_335 = arith.constant 0 : i32
        %dma_start3A_336 = tpu.memref_slice %arg12[%rem3A_69, %dma_start3A_334, %dma_start3A_335] : memref<4x16x1024xf32, #tpu.memory_space<vmem>> -> memref<1x16x1024xf32, #tpu.memory_space<vmem>>
        %dma_start3A_337 = tpu.memref_squeeze %dma_start3A_336 : memref<1x16x1024xf32, #tpu.memory_space<vmem>> -> memref<16x1024xf32, #tpu.memory_space<vmem>>
        %dma_start3A_338 = arith.constant 0 : i32
        %dma_start3A_339 = tpu.memref_slice %dma_start3A_337[%dma_start3A_333, %dma_start3A_338] : memref<16x1024xf32, #tpu.memory_space<vmem>> -> memref<1x1024xf32, #tpu.memory_space<vmem>>
        %dma_start3A_340 = tpu.memref_squeeze %dma_start3A_339 : memref<1x1024xf32, #tpu.memory_space<vmem>> -> memref<1024xf32, #tpu.memory_space<vmem>>
        %dma_start3A_341 = arith.constant 0 : i32
        %dma_start3A_342 = tpu.memref_slice %arg11[%squeeze3A_332, %dma_start3A_341] : memref<64x1024xf32, #tpu.memory_space<vmem_shared>> -> memref<1x1024xf32, #tpu.memory_space<vmem_shared>>
        %dma_start3A_343 = tpu.memref_squeeze %dma_start3A_342 : memref<1x1024xf32, #tpu.memory_space<vmem_shared>> -> memref<1024xf32, #tpu.memory_space<vmem_shared>>
        %dma_start3A_344 = arith.constant 0 : i32
        %dma_start3A_345 = arith.constant 0 : i32
        %dma_start3A_346 = tpu.memref_slice %arg12[%rem3A_69, %dma_start3A_344, %dma_start3A_345] : memref<4x16x1024xf32, #tpu.memory_space<vmem>> -> memref<1x16x1024xf32, #tpu.memory_space<vmem>>
        %dma_start3A_347 = tpu.memref_squeeze %dma_start3A_346 : memref<1x16x1024xf32, #tpu.memory_space<vmem>> -> memref<16x1024xf32, #tpu.memory_space<vmem>>
        %dma_start3A_348 = arith.constant 0 : i32
        %dma_start3A_349 = tpu.memref_slice %dma_start3A_347[%dma_start3A_333, %dma_start3A_348] : memref<16x1024xf32, #tpu.memory_space<vmem>> -> memref<1x1024xf32, #tpu.memory_space<vmem>>
        %dma_start3A_350 = tpu.memref_squeeze %dma_start3A_349 : memref<1x1024xf32, #tpu.memory_space<vmem>> -> memref<1024xf32, #tpu.memory_space<vmem>>
        %dma_start3A_351 = arith.constant 0 : i32
        %dma_start3A_352 = tpu.memref_slice %arg11[%squeeze3A_332, %dma_start3A_351] : memref<64x1024xf32, #tpu.memory_space<vmem_shared>> -> memref<1x1024xf32, #tpu.memory_space<vmem_shared>>
        %dma_start3A_353 = tpu.memref_squeeze %dma_start3A_352 : memref<1x1024xf32, #tpu.memory_space<vmem_shared>> -> memref<1024xf32, #tpu.memory_space<vmem_shared>>
        tpu.enqueue_dma source(%dma_start3A_353 : memref<1024xf32, #tpu.memory_space<vmem_shared>>) target(%dma_start3A_350 : memref<1024xf32, #tpu.memory_space<vmem>>) target_semaphore(%arg15 : memref<!tpu.dma_semaphore, #tpu.memory_space<semaphore_mem>>)
      } else {
      }
      %slice3A_176 = vector.extract_strided_slice %get3A_92 {offsets = [12], sizes = [1], strides = [1]} : vector<16xi32> to vector<1xi32>
      %squeeze3A_177 = vector.extract %slice3A_176[0] : i32 from vector<1xi32>
      %eq3A_178 = arith.constant 0 : i32
      %eq3A_179 = arith.cmpi eq, %squeeze3A_177, %eq3A_178 : i32
      %convert_element_type3A_180 = arith.extui %eq3A_179 : i1 to i32
      %cond3A_181 = arith.constant 0 : i32
      %cond3A_182 = arith.cmpi ne, %convert_element_type3A_180, %cond3A_181 : i32
      scf.if %cond3A_182 {
        %slice3A_331 = vector.extract_strided_slice %get3A_94 {offsets = [12], sizes = [1], strides = [1]} : vector<16xi32> to vector<1xi32>
        %squeeze3A_332 = vector.extract %slice3A_331[0] : i32 from vector<1xi32>
        %dma_start3A_333 = arith.constant 12 : i32
        %dma_start3A_334 = arith.constant 0 : i32
        %dma_start3A_335 = arith.constant 0 : i32
        %dma_start3A_336 = tpu.memref_slice %arg12[%rem3A_69, %dma_start3A_334, %dma_start3A_335] : memref<4x16x1024xf32, #tpu.memory_space<vmem>> -> memref<1x16x1024xf32, #tpu.memory_space<vmem>>
        %dma_start3A_337 = tpu.memref_squeeze %dma_start3A_336 : memref<1x16x1024xf32, #tpu.memory_space<vmem>> -> memref<16x1024xf32, #tpu.memory_space<vmem>>
        %dma_start3A_338 = arith.constant 0 : i32
        %dma_start3A_339 = tpu.memref_slice %dma_start3A_337[%dma_start3A_333, %dma_start3A_338] : memref<16x1024xf32, #tpu.memory_space<vmem>> -> memref<1x1024xf32, #tpu.memory_space<vmem>>
        %dma_start3A_340 = tpu.memref_squeeze %dma_start3A_339 : memref<1x1024xf32, #tpu.memory_space<vmem>> -> memref<1024xf32, #tpu.memory_space<vmem>>
        %dma_start3A_341 = arith.constant 0 : i32
        %dma_start3A_342 = tpu.memref_slice %arg11[%squeeze3A_332, %dma_start3A_341] : memref<64x1024xf32, #tpu.memory_space<vmem_shared>> -> memref<1x1024xf32, #tpu.memory_space<vmem_shared>>
        %dma_start3A_343 = tpu.memref_squeeze %dma_start3A_342 : memref<1x1024xf32, #tpu.memory_space<vmem_shared>> -> memref<1024xf32, #tpu.memory_space<vmem_shared>>
        %dma_start3A_344 = arith.constant 0 : i32
        %dma_start3A_345 = arith.constant 0 : i32
        %dma_start3A_346 = tpu.memref_slice %arg12[%rem3A_69, %dma_start3A_344, %dma_start3A_345] : memref<4x16x1024xf32, #tpu.memory_space<vmem>> -> memref<1x16x1024xf32, #tpu.memory_space<vmem>>
        %dma_start3A_347 = tpu.memref_squeeze %dma_start3A_346 : memref<1x16x1024xf32, #tpu.memory_space<vmem>> -> memref<16x1024xf32, #tpu.memory_space<vmem>>
        %dma_start3A_348 = arith.constant 0 : i32
        %dma_start3A_349 = tpu.memref_slice %dma_start3A_347[%dma_start3A_333, %dma_start3A_348] : memref<16x1024xf32, #tpu.memory_space<vmem>> -> memref<1x1024xf32, #tpu.memory_space<vmem>>
        %dma_start3A_350 = tpu.memref_squeeze %dma_start3A_349 : memref<1x1024xf32, #tpu.memory_space<vmem>> -> memref<1024xf32, #tpu.memory_space<vmem>>
        %dma_start3A_351 = arith.constant 0 : i32
        %dma_start3A_352 = tpu.memref_slice %arg11[%squeeze3A_332, %dma_start3A_351] : memref<64x1024xf32, #tpu.memory_space<vmem_shared>> -> memref<1x1024xf32, #tpu.memory_space<vmem_shared>>
        %dma_start3A_353 = tpu.memref_squeeze %dma_start3A_352 : memref<1x1024xf32, #tpu.memory_space<vmem_shared>> -> memref<1024xf32, #tpu.memory_space<vmem_shared>>
        tpu.enqueue_dma source(%dma_start3A_353 : memref<1024xf32, #tpu.memory_space<vmem_shared>>) target(%dma_start3A_350 : memref<1024xf32, #tpu.memory_space<vmem>>) target_semaphore(%arg15 : memref<!tpu.dma_semaphore, #tpu.memory_space<semaphore_mem>>)
      } else {
      }
      %slice3A_183 = vector.extract_strided_slice %get3A_92 {offsets = [13], sizes = [1], strides = [1]} : vector<16xi32> to vector<1xi32>
      %squeeze3A_184 = vector.extract %slice3A_183[0] : i32 from vector<1xi32>
      %eq3A_185 = arith.constant 0 : i32
      %eq3A_186 = arith.cmpi eq, %squeeze3A_184, %eq3A_185 : i32
      %convert_element_type3A_187 = arith.extui %eq3A_186 : i1 to i32
      %cond3A_188 = arith.constant 0 : i32
      %cond3A_189 = arith.cmpi ne, %convert_element_type3A_187, %cond3A_188 : i32
      scf.if %cond3A_189 {
        %slice3A_331 = vector.extract_strided_slice %get3A_94 {offsets = [13], sizes = [1], strides = [1]} : vector<16xi32> to vector<1xi32>
        %squeeze3A_332 = vector.extract %slice3A_331[0] : i32 from vector<1xi32>
        %dma_start3A_333 = arith.constant 13 : i32
        %dma_start3A_334 = arith.constant 0 : i32
        %dma_start3A_335 = arith.constant 0 : i32
        %dma_start3A_336 = tpu.memref_slice %arg12[%rem3A_69, %dma_start3A_334, %dma_start3A_335] : memref<4x16x1024xf32, #tpu.memory_space<vmem>> -> memref<1x16x1024xf32, #tpu.memory_space<vmem>>
        %dma_start3A_337 = tpu.memref_squeeze %dma_start3A_336 : memref<1x16x1024xf32, #tpu.memory_space<vmem>> -> memref<16x1024xf32, #tpu.memory_space<vmem>>
        %dma_start3A_338 = arith.constant 0 : i32
        %dma_start3A_339 = tpu.memref_slice %dma_start3A_337[%dma_start3A_333, %dma_start3A_338] : memref<16x1024xf32, #tpu.memory_space<vmem>> -> memref<1x1024xf32, #tpu.memory_space<vmem>>
        %dma_start3A_340 = tpu.memref_squeeze %dma_start3A_339 : memref<1x1024xf32, #tpu.memory_space<vmem>> -> memref<1024xf32, #tpu.memory_space<vmem>>
        %dma_start3A_341 = arith.constant 0 : i32
        %dma_start3A_342 = tpu.memref_slice %arg11[%squeeze3A_332, %dma_start3A_341] : memref<64x1024xf32, #tpu.memory_space<vmem_shared>> -> memref<1x1024xf32, #tpu.memory_space<vmem_shared>>
        %dma_start3A_343 = tpu.memref_squeeze %dma_start3A_342 : memref<1x1024xf32, #tpu.memory_space<vmem_shared>> -> memref<1024xf32, #tpu.memory_space<vmem_shared>>
        %dma_start3A_344 = arith.constant 0 : i32
        %dma_start3A_345 = arith.constant 0 : i32
        %dma_start3A_346 = tpu.memref_slice %arg12[%rem3A_69, %dma_start3A_344, %dma_start3A_345] : memref<4x16x1024xf32, #tpu.memory_space<vmem>> -> memref<1x16x1024xf32, #tpu.memory_space<vmem>>
        %dma_start3A_347 = tpu.memref_squeeze %dma_start3A_346 : memref<1x16x1024xf32, #tpu.memory_space<vmem>> -> memref<16x1024xf32, #tpu.memory_space<vmem>>
        %dma_start3A_348 = arith.constant 0 : i32
        %dma_start3A_349 = tpu.memref_slice %dma_start3A_347[%dma_start3A_333, %dma_start3A_348] : memref<16x1024xf32, #tpu.memory_space<vmem>> -> memref<1x1024xf32, #tpu.memory_space<vmem>>
        %dma_start3A_350 = tpu.memref_squeeze %dma_start3A_349 : memref<1x1024xf32, #tpu.memory_space<vmem>> -> memref<1024xf32, #tpu.memory_space<vmem>>
        %dma_start3A_351 = arith.constant 0 : i32
        %dma_start3A_352 = tpu.memref_slice %arg11[%squeeze3A_332, %dma_start3A_351] : memref<64x1024xf32, #tpu.memory_space<vmem_shared>> -> memref<1x1024xf32, #tpu.memory_space<vmem_shared>>
        %dma_start3A_353 = tpu.memref_squeeze %dma_start3A_352 : memref<1x1024xf32, #tpu.memory_space<vmem_shared>> -> memref<1024xf32, #tpu.memory_space<vmem_shared>>
        tpu.enqueue_dma source(%dma_start3A_353 : memref<1024xf32, #tpu.memory_space<vmem_shared>>) target(%dma_start3A_350 : memref<1024xf32, #tpu.memory_space<vmem>>) target_semaphore(%arg15 : memref<!tpu.dma_semaphore, #tpu.memory_space<semaphore_mem>>)
      } else {
      }
      %slice3A_190 = vector.extract_strided_slice %get3A_92 {offsets = [14], sizes = [1], strides = [1]} : vector<16xi32> to vector<1xi32>
      %squeeze3A_191 = vector.extract %slice3A_190[0] : i32 from vector<1xi32>
      %eq3A_192 = arith.constant 0 : i32
      %eq3A_193 = arith.cmpi eq, %squeeze3A_191, %eq3A_192 : i32
      %convert_element_type3A_194 = arith.extui %eq3A_193 : i1 to i32
      %cond3A_195 = arith.constant 0 : i32
      %cond3A_196 = arith.cmpi ne, %convert_element_type3A_194, %cond3A_195 : i32
      scf.if %cond3A_196 {
        %slice3A_331 = vector.extract_strided_slice %get3A_94 {offsets = [14], sizes = [1], strides = [1]} : vector<16xi32> to vector<1xi32>
        %squeeze3A_332 = vector.extract %slice3A_331[0] : i32 from vector<1xi32>
        %dma_start3A_333 = arith.constant 14 : i32
        %dma_start3A_334 = arith.constant 0 : i32
        %dma_start3A_335 = arith.constant 0 : i32
        %dma_start3A_336 = tpu.memref_slice %arg12[%rem3A_69, %dma_start3A_334, %dma_start3A_335] : memref<4x16x1024xf32, #tpu.memory_space<vmem>> -> memref<1x16x1024xf32, #tpu.memory_space<vmem>>
        %dma_start3A_337 = tpu.memref_squeeze %dma_start3A_336 : memref<1x16x1024xf32, #tpu.memory_space<vmem>> -> memref<16x1024xf32, #tpu.memory_space<vmem>>
        %dma_start3A_338 = arith.constant 0 : i32
        %dma_start3A_339 = tpu.memref_slice %dma_start3A_337[%dma_start3A_333, %dma_start3A_338] : memref<16x1024xf32, #tpu.memory_space<vmem>> -> memref<1x1024xf32, #tpu.memory_space<vmem>>
        %dma_start3A_340 = tpu.memref_squeeze %dma_start3A_339 : memref<1x1024xf32, #tpu.memory_space<vmem>> -> memref<1024xf32, #tpu.memory_space<vmem>>
        %dma_start3A_341 = arith.constant 0 : i32
        %dma_start3A_342 = tpu.memref_slice %arg11[%squeeze3A_332, %dma_start3A_341] : memref<64x1024xf32, #tpu.memory_space<vmem_shared>> -> memref<1x1024xf32, #tpu.memory_space<vmem_shared>>
        %dma_start3A_343 = tpu.memref_squeeze %dma_start3A_342 : memref<1x1024xf32, #tpu.memory_space<vmem_shared>> -> memref<1024xf32, #tpu.memory_space<vmem_shared>>
        %dma_start3A_344 = arith.constant 0 : i32
        %dma_start3A_345 = arith.constant 0 : i32
        %dma_start3A_346 = tpu.memref_slice %arg12[%rem3A_69, %dma_start3A_344, %dma_start3A_345] : memref<4x16x1024xf32, #tpu.memory_space<vmem>> -> memref<1x16x1024xf32, #tpu.memory_space<vmem>>
        %dma_start3A_347 = tpu.memref_squeeze %dma_start3A_346 : memref<1x16x1024xf32, #tpu.memory_space<vmem>> -> memref<16x1024xf32, #tpu.memory_space<vmem>>
        %dma_start3A_348 = arith.constant 0 : i32
        %dma_start3A_349 = tpu.memref_slice %dma_start3A_347[%dma_start3A_333, %dma_start3A_348] : memref<16x1024xf32, #tpu.memory_space<vmem>> -> memref<1x1024xf32, #tpu.memory_space<vmem>>
        %dma_start3A_350 = tpu.memref_squeeze %dma_start3A_349 : memref<1x1024xf32, #tpu.memory_space<vmem>> -> memref<1024xf32, #tpu.memory_space<vmem>>
        %dma_start3A_351 = arith.constant 0 : i32
        %dma_start3A_352 = tpu.memref_slice %arg11[%squeeze3A_332, %dma_start3A_351] : memref<64x1024xf32, #tpu.memory_space<vmem_shared>> -> memref<1x1024xf32, #tpu.memory_space<vmem_shared>>
        %dma_start3A_353 = tpu.memref_squeeze %dma_start3A_352 : memref<1x1024xf32, #tpu.memory_space<vmem_shared>> -> memref<1024xf32, #tpu.memory_space<vmem_shared>>
        tpu.enqueue_dma source(%dma_start3A_353 : memref<1024xf32, #tpu.memory_space<vmem_shared>>) target(%dma_start3A_350 : memref<1024xf32, #tpu.memory_space<vmem>>) target_semaphore(%arg15 : memref<!tpu.dma_semaphore, #tpu.memory_space<semaphore_mem>>)
      } else {
      }
      %slice3A_197 = vector.extract_strided_slice %get3A_92 {offsets = [15], sizes = [1], strides = [1]} : vector<16xi32> to vector<1xi32>
      %squeeze3A_198 = vector.extract %slice3A_197[0] : i32 from vector<1xi32>
      %eq3A_199 = arith.constant 0 : i32
      %eq3A_200 = arith.cmpi eq, %squeeze3A_198, %eq3A_199 : i32
      %convert_element_type3A_201 = arith.extui %eq3A_200 : i1 to i32
      %cond3A_202 = arith.constant 0 : i32
      %cond3A_203 = arith.cmpi ne, %convert_element_type3A_201, %cond3A_202 : i32
      scf.if %cond3A_203 {
        %slice3A_331 = vector.extract_strided_slice %get3A_94 {offsets = [15], sizes = [1], strides = [1]} : vector<16xi32> to vector<1xi32>
        %squeeze3A_332 = vector.extract %slice3A_331[0] : i32 from vector<1xi32>
        %dma_start3A_333 = arith.constant 15 : i32
        %dma_start3A_334 = arith.constant 0 : i32
        %dma_start3A_335 = arith.constant 0 : i32
        %dma_start3A_336 = tpu.memref_slice %arg12[%rem3A_69, %dma_start3A_334, %dma_start3A_335] : memref<4x16x1024xf32, #tpu.memory_space<vmem>> -> memref<1x16x1024xf32, #tpu.memory_space<vmem>>
        %dma_start3A_337 = tpu.memref_squeeze %dma_start3A_336 : memref<1x16x1024xf32, #tpu.memory_space<vmem>> -> memref<16x1024xf32, #tpu.memory_space<vmem>>
        %dma_start3A_338 = arith.constant 0 : i32
        %dma_start3A_339 = tpu.memref_slice %dma_start3A_337[%dma_start3A_333, %dma_start3A_338] : memref<16x1024xf32, #tpu.memory_space<vmem>> -> memref<1x1024xf32, #tpu.memory_space<vmem>>
        %dma_start3A_340 = tpu.memref_squeeze %dma_start3A_339 : memref<1x1024xf32, #tpu.memory_space<vmem>> -> memref<1024xf32, #tpu.memory_space<vmem>>
        %dma_start3A_341 = arith.constant 0 : i32
        %dma_start3A_342 = tpu.memref_slice %arg11[%squeeze3A_332, %dma_start3A_341] : memref<64x1024xf32, #tpu.memory_space<vmem_shared>> -> memref<1x1024xf32, #tpu.memory_space<vmem_shared>>
        %dma_start3A_343 = tpu.memref_squeeze %dma_start3A_342 : memref<1x1024xf32, #tpu.memory_space<vmem_shared>> -> memref<1024xf32, #tpu.memory_space<vmem_shared>>
        %dma_start3A_344 = arith.constant 0 : i32
        %dma_start3A_345 = arith.constant 0 : i32
        %dma_start3A_346 = tpu.memref_slice %arg12[%rem3A_69, %dma_start3A_344, %dma_start3A_345] : memref<4x16x1024xf32, #tpu.memory_space<vmem>> -> memref<1x16x1024xf32, #tpu.memory_space<vmem>>
        %dma_start3A_347 = tpu.memref_squeeze %dma_start3A_346 : memref<1x16x1024xf32, #tpu.memory_space<vmem>> -> memref<16x1024xf32, #tpu.memory_space<vmem>>
        %dma_start3A_348 = arith.constant 0 : i32
        %dma_start3A_349 = tpu.memref_slice %dma_start3A_347[%dma_start3A_333, %dma_start3A_348] : memref<16x1024xf32, #tpu.memory_space<vmem>> -> memref<1x1024xf32, #tpu.memory_space<vmem>>
        %dma_start3A_350 = tpu.memref_squeeze %dma_start3A_349 : memref<1x1024xf32, #tpu.memory_space<vmem>> -> memref<1024xf32, #tpu.memory_space<vmem>>
        %dma_start3A_351 = arith.constant 0 : i32
        %dma_start3A_352 = tpu.memref_slice %arg11[%squeeze3A_332, %dma_start3A_351] : memref<64x1024xf32, #tpu.memory_space<vmem_shared>> -> memref<1x1024xf32, #tpu.memory_space<vmem_shared>>
        %dma_start3A_353 = tpu.memref_squeeze %dma_start3A_352 : memref<1x1024xf32, #tpu.memory_space<vmem_shared>> -> memref<1024xf32, #tpu.memory_space<vmem_shared>>
        tpu.enqueue_dma source(%dma_start3A_353 : memref<1024xf32, #tpu.memory_space<vmem_shared>>) target(%dma_start3A_350 : memref<1024xf32, #tpu.memory_space<vmem>>) target_semaphore(%arg15 : memref<!tpu.dma_semaphore, #tpu.memory_space<semaphore_mem>>)
      } else {
      }
      %slice3A_204 = vector.extract_strided_slice %get3A_92 {offsets = [0], sizes = [1], strides = [1]} : vector<16xi32> to vector<1xi32>
      %squeeze3A_205 = vector.extract %slice3A_204[0] : i32 from vector<1xi32>
      %eq3A_206 = arith.constant 0 : i32
      %eq3A_207 = arith.cmpi eq, %squeeze3A_205, %eq3A_206 : i32
      %convert_element_type3A_208 = arith.extui %eq3A_207 : i1 to i32
      %cond3A_209 = arith.constant 0 : i32
      %cond3A_210 = arith.cmpi ne, %convert_element_type3A_208, %cond3A_209 : i32
      scf.if %cond3A_210 {
        %dma_wait3A_331 = arith.constant 0 : i32
        %dma_wait3A_332 = arith.constant 0 : i32
        %dma_wait3A_333 = arith.constant 0 : i32
        %dma_wait3A_334 = arith.constant 0 : i32
        %dma_wait3A_335 = tpu.memref_slice %arg12[%rem3A_69, %dma_wait3A_333, %dma_wait3A_334] : memref<4x16x1024xf32, #tpu.memory_space<vmem>> -> memref<1x16x1024xf32, #tpu.memory_space<vmem>>
        %dma_wait3A_336 = tpu.memref_squeeze %dma_wait3A_335 : memref<1x16x1024xf32, #tpu.memory_space<vmem>> -> memref<16x1024xf32, #tpu.memory_space<vmem>>
        %dma_wait3A_337 = arith.constant 0 : i32
        %dma_wait3A_338 = tpu.memref_slice %dma_wait3A_336[%dma_wait3A_332, %dma_wait3A_337] : memref<16x1024xf32, #tpu.memory_space<vmem>> -> memref<1x1024xf32, #tpu.memory_space<vmem>>
        %dma_wait3A_339 = tpu.memref_squeeze %dma_wait3A_338 : memref<1x1024xf32, #tpu.memory_space<vmem>> -> memref<1024xf32, #tpu.memory_space<vmem>>
        %dma_wait3A_340 = arith.constant 0 : i32
        %dma_wait3A_341 = tpu.memref_slice %arg11[%dma_wait3A_331, %dma_wait3A_340] : memref<64x1024xf32, #tpu.memory_space<vmem_shared>> -> memref<1x1024xf32, #tpu.memory_space<vmem_shared>>
        %dma_wait3A_342 = tpu.memref_squeeze %dma_wait3A_341 : memref<1x1024xf32, #tpu.memory_space<vmem_shared>> -> memref<1024xf32, #tpu.memory_space<vmem_shared>>
        %dma_wait3A_343 = arith.constant 0 : i32
        %dma_wait3A_344 = arith.constant 0 : i32
        %dma_wait3A_345 = tpu.memref_slice %arg12[%rem3A_69, %dma_wait3A_343, %dma_wait3A_344] : memref<4x16x1024xf32, #tpu.memory_space<vmem>> -> memref<1x16x1024xf32, #tpu.memory_space<vmem>>
        %dma_wait3A_346 = tpu.memref_squeeze %dma_wait3A_345 : memref<1x16x1024xf32, #tpu.memory_space<vmem>> -> memref<16x1024xf32, #tpu.memory_space<vmem>>
        %dma_wait3A_347 = arith.constant 0 : i32
        %dma_wait3A_348 = tpu.memref_slice %dma_wait3A_346[%dma_wait3A_332, %dma_wait3A_347] : memref<16x1024xf32, #tpu.memory_space<vmem>> -> memref<1x1024xf32, #tpu.memory_space<vmem>>
        %dma_wait3A_349 = tpu.memref_squeeze %dma_wait3A_348 : memref<1x1024xf32, #tpu.memory_space<vmem>> -> memref<1024xf32, #tpu.memory_space<vmem>>
        %dma_wait3A_350 = arith.constant 0 : i32
        %dma_wait3A_351 = tpu.memref_slice %arg11[%dma_wait3A_331, %dma_wait3A_350] : memref<64x1024xf32, #tpu.memory_space<vmem_shared>> -> memref<1x1024xf32, #tpu.memory_space<vmem_shared>>
        %dma_wait3A_352 = tpu.memref_squeeze %dma_wait3A_351 : memref<1x1024xf32, #tpu.memory_space<vmem_shared>> -> memref<1024xf32, #tpu.memory_space<vmem_shared>>
        tpu.wait_dma2 semaphore(%arg15 : memref<!tpu.dma_semaphore, #tpu.memory_space<semaphore_mem>>) src(%dma_wait3A_352 : memref<1024xf32, #tpu.memory_space<vmem_shared>>) dst(%dma_wait3A_349 : memref<1024xf32, #tpu.memory_space<vmem>>)
      } else {
      }
      %slice3A_211 = vector.extract_strided_slice %get3A_92 {offsets = [1], sizes = [1], strides = [1]} : vector<16xi32> to vector<1xi32>
      %squeeze3A_212 = vector.extract %slice3A_211[0] : i32 from vector<1xi32>
      %eq3A_213 = arith.constant 0 : i32
      %eq3A_214 = arith.cmpi eq, %squeeze3A_212, %eq3A_213 : i32
      %convert_element_type3A_215 = arith.extui %eq3A_214 : i1 to i32
      %cond3A_216 = arith.constant 0 : i32
      %cond3A_217 = arith.cmpi ne, %convert_element_type3A_215, %cond3A_216 : i32
      scf.if %cond3A_217 {
        %dma_wait3A_331 = arith.constant 0 : i32
        %dma_wait3A_332 = arith.constant 1 : i32
        %dma_wait3A_333 = arith.constant 0 : i32
        %dma_wait3A_334 = arith.constant 0 : i32
        %dma_wait3A_335 = tpu.memref_slice %arg12[%rem3A_69, %dma_wait3A_333, %dma_wait3A_334] : memref<4x16x1024xf32, #tpu.memory_space<vmem>> -> memref<1x16x1024xf32, #tpu.memory_space<vmem>>
        %dma_wait3A_336 = tpu.memref_squeeze %dma_wait3A_335 : memref<1x16x1024xf32, #tpu.memory_space<vmem>> -> memref<16x1024xf32, #tpu.memory_space<vmem>>
        %dma_wait3A_337 = arith.constant 0 : i32
        %dma_wait3A_338 = tpu.memref_slice %dma_wait3A_336[%dma_wait3A_332, %dma_wait3A_337] : memref<16x1024xf32, #tpu.memory_space<vmem>> -> memref<1x1024xf32, #tpu.memory_space<vmem>>
        %dma_wait3A_339 = tpu.memref_squeeze %dma_wait3A_338 : memref<1x1024xf32, #tpu.memory_space<vmem>> -> memref<1024xf32, #tpu.memory_space<vmem>>
        %dma_wait3A_340 = arith.constant 0 : i32
        %dma_wait3A_341 = tpu.memref_slice %arg11[%dma_wait3A_331, %dma_wait3A_340] : memref<64x1024xf32, #tpu.memory_space<vmem_shared>> -> memref<1x1024xf32, #tpu.memory_space<vmem_shared>>
        %dma_wait3A_342 = tpu.memref_squeeze %dma_wait3A_341 : memref<1x1024xf32, #tpu.memory_space<vmem_shared>> -> memref<1024xf32, #tpu.memory_space<vmem_shared>>
        %dma_wait3A_343 = arith.constant 0 : i32
        %dma_wait3A_344 = arith.constant 0 : i32
        %dma_wait3A_345 = tpu.memref_slice %arg12[%rem3A_69, %dma_wait3A_343, %dma_wait3A_344] : memref<4x16x1024xf32, #tpu.memory_space<vmem>> -> memref<1x16x1024xf32, #tpu.memory_space<vmem>>
        %dma_wait3A_346 = tpu.memref_squeeze %dma_wait3A_345 : memref<1x16x1024xf32, #tpu.memory_space<vmem>> -> memref<16x1024xf32, #tpu.memory_space<vmem>>
        %dma_wait3A_347 = arith.constant 0 : i32
        %dma_wait3A_348 = tpu.memref_slice %dma_wait3A_346[%dma_wait3A_332, %dma_wait3A_347] : memref<16x1024xf32, #tpu.memory_space<vmem>> -> memref<1x1024xf32, #tpu.memory_space<vmem>>
        %dma_wait3A_349 = tpu.memref_squeeze %dma_wait3A_348 : memref<1x1024xf32, #tpu.memory_space<vmem>> -> memref<1024xf32, #tpu.memory_space<vmem>>
        %dma_wait3A_350 = arith.constant 0 : i32
        %dma_wait3A_351 = tpu.memref_slice %arg11[%dma_wait3A_331, %dma_wait3A_350] : memref<64x1024xf32, #tpu.memory_space<vmem_shared>> -> memref<1x1024xf32, #tpu.memory_space<vmem_shared>>
        %dma_wait3A_352 = tpu.memref_squeeze %dma_wait3A_351 : memref<1x1024xf32, #tpu.memory_space<vmem_shared>> -> memref<1024xf32, #tpu.memory_space<vmem_shared>>
        tpu.wait_dma2 semaphore(%arg15 : memref<!tpu.dma_semaphore, #tpu.memory_space<semaphore_mem>>) src(%dma_wait3A_352 : memref<1024xf32, #tpu.memory_space<vmem_shared>>) dst(%dma_wait3A_349 : memref<1024xf32, #tpu.memory_space<vmem>>)
      } else {
      }
      %slice3A_218 = vector.extract_strided_slice %get3A_92 {offsets = [2], sizes = [1], strides = [1]} : vector<16xi32> to vector<1xi32>
      %squeeze3A_219 = vector.extract %slice3A_218[0] : i32 from vector<1xi32>
      %eq3A_220 = arith.constant 0 : i32
      %eq3A_221 = arith.cmpi eq, %squeeze3A_219, %eq3A_220 : i32
      %convert_element_type3A_222 = arith.extui %eq3A_221 : i1 to i32
      %cond3A_223 = arith.constant 0 : i32
      %cond3A_224 = arith.cmpi ne, %convert_element_type3A_222, %cond3A_223 : i32
      scf.if %cond3A_224 {
        %dma_wait3A_331 = arith.constant 0 : i32
        %dma_wait3A_332 = arith.constant 2 : i32
        %dma_wait3A_333 = arith.constant 0 : i32
        %dma_wait3A_334 = arith.constant 0 : i32
        %dma_wait3A_335 = tpu.memref_slice %arg12[%rem3A_69, %dma_wait3A_333, %dma_wait3A_334] : memref<4x16x1024xf32, #tpu.memory_space<vmem>> -> memref<1x16x1024xf32, #tpu.memory_space<vmem>>
        %dma_wait3A_336 = tpu.memref_squeeze %dma_wait3A_335 : memref<1x16x1024xf32, #tpu.memory_space<vmem>> -> memref<16x1024xf32, #tpu.memory_space<vmem>>
        %dma_wait3A_337 = arith.constant 0 : i32
        %dma_wait3A_338 = tpu.memref_slice %dma_wait3A_336[%dma_wait3A_332, %dma_wait3A_337] : memref<16x1024xf32, #tpu.memory_space<vmem>> -> memref<1x1024xf32, #tpu.memory_space<vmem>>
        %dma_wait3A_339 = tpu.memref_squeeze %dma_wait3A_338 : memref<1x1024xf32, #tpu.memory_space<vmem>> -> memref<1024xf32, #tpu.memory_space<vmem>>
        %dma_wait3A_340 = arith.constant 0 : i32
        %dma_wait3A_341 = tpu.memref_slice %arg11[%dma_wait3A_331, %dma_wait3A_340] : memref<64x1024xf32, #tpu.memory_space<vmem_shared>> -> memref<1x1024xf32, #tpu.memory_space<vmem_shared>>
        %dma_wait3A_342 = tpu.memref_squeeze %dma_wait3A_341 : memref<1x1024xf32, #tpu.memory_space<vmem_shared>> -> memref<1024xf32, #tpu.memory_space<vmem_shared>>
        %dma_wait3A_343 = arith.constant 0 : i32
        %dma_wait3A_344 = arith.constant 0 : i32
        %dma_wait3A_345 = tpu.memref_slice %arg12[%rem3A_69, %dma_wait3A_343, %dma_wait3A_344] : memref<4x16x1024xf32, #tpu.memory_space<vmem>> -> memref<1x16x1024xf32, #tpu.memory_space<vmem>>
        %dma_wait3A_346 = tpu.memref_squeeze %dma_wait3A_345 : memref<1x16x1024xf32, #tpu.memory_space<vmem>> -> memref<16x1024xf32, #tpu.memory_space<vmem>>
        %dma_wait3A_347 = arith.constant 0 : i32
        %dma_wait3A_348 = tpu.memref_slice %dma_wait3A_346[%dma_wait3A_332, %dma_wait3A_347] : memref<16x1024xf32, #tpu.memory_space<vmem>> -> memref<1x1024xf32, #tpu.memory_space<vmem>>
        %dma_wait3A_349 = tpu.memref_squeeze %dma_wait3A_348 : memref<1x1024xf32, #tpu.memory_space<vmem>> -> memref<1024xf32, #tpu.memory_space<vmem>>
        %dma_wait3A_350 = arith.constant 0 : i32
        %dma_wait3A_351 = tpu.memref_slice %arg11[%dma_wait3A_331, %dma_wait3A_350] : memref<64x1024xf32, #tpu.memory_space<vmem_shared>> -> memref<1x1024xf32, #tpu.memory_space<vmem_shared>>
        %dma_wait3A_352 = tpu.memref_squeeze %dma_wait3A_351 : memref<1x1024xf32, #tpu.memory_space<vmem_shared>> -> memref<1024xf32, #tpu.memory_space<vmem_shared>>
        tpu.wait_dma2 semaphore(%arg15 : memref<!tpu.dma_semaphore, #tpu.memory_space<semaphore_mem>>) src(%dma_wait3A_352 : memref<1024xf32, #tpu.memory_space<vmem_shared>>) dst(%dma_wait3A_349 : memref<1024xf32, #tpu.memory_space<vmem>>)
      } else {
      }
      %slice3A_225 = vector.extract_strided_slice %get3A_92 {offsets = [3], sizes = [1], strides = [1]} : vector<16xi32> to vector<1xi32>
      %squeeze3A_226 = vector.extract %slice3A_225[0] : i32 from vector<1xi32>
      %eq3A_227 = arith.constant 0 : i32
      %eq3A_228 = arith.cmpi eq, %squeeze3A_226, %eq3A_227 : i32
      %convert_element_type3A_229 = arith.extui %eq3A_228 : i1 to i32
      %cond3A_230 = arith.constant 0 : i32
      %cond3A_231 = arith.cmpi ne, %convert_element_type3A_229, %cond3A_230 : i32
      scf.if %cond3A_231 {
        %dma_wait3A_331 = arith.constant 0 : i32
        %dma_wait3A_332 = arith.constant 3 : i32
        %dma_wait3A_333 = arith.constant 0 : i32
        %dma_wait3A_334 = arith.constant 0 : i32
        %dma_wait3A_335 = tpu.memref_slice %arg12[%rem3A_69, %dma_wait3A_333, %dma_wait3A_334] : memref<4x16x1024xf32, #tpu.memory_space<vmem>> -> memref<1x16x1024xf32, #tpu.memory_space<vmem>>
        %dma_wait3A_336 = tpu.memref_squeeze %dma_wait3A_335 : memref<1x16x1024xf32, #tpu.memory_space<vmem>> -> memref<16x1024xf32, #tpu.memory_space<vmem>>
        %dma_wait3A_337 = arith.constant 0 : i32
        %dma_wait3A_338 = tpu.memref_slice %dma_wait3A_336[%dma_wait3A_332, %dma_wait3A_337] : memref<16x1024xf32, #tpu.memory_space<vmem>> -> memref<1x1024xf32, #tpu.memory_space<vmem>>
        %dma_wait3A_339 = tpu.memref_squeeze %dma_wait3A_338 : memref<1x1024xf32, #tpu.memory_space<vmem>> -> memref<1024xf32, #tpu.memory_space<vmem>>
        %dma_wait3A_340 = arith.constant 0 : i32
        %dma_wait3A_341 = tpu.memref_slice %arg11[%dma_wait3A_331, %dma_wait3A_340] : memref<64x1024xf32, #tpu.memory_space<vmem_shared>> -> memref<1x1024xf32, #tpu.memory_space<vmem_shared>>
        %dma_wait3A_342 = tpu.memref_squeeze %dma_wait3A_341 : memref<1x1024xf32, #tpu.memory_space<vmem_shared>> -> memref<1024xf32, #tpu.memory_space<vmem_shared>>
        %dma_wait3A_343 = arith.constant 0 : i32
        %dma_wait3A_344 = arith.constant 0 : i32
        %dma_wait3A_345 = tpu.memref_slice %arg12[%rem3A_69, %dma_wait3A_343, %dma_wait3A_344] : memref<4x16x1024xf32, #tpu.memory_space<vmem>> -> memref<1x16x1024xf32, #tpu.memory_space<vmem>>
        %dma_wait3A_346 = tpu.memref_squeeze %dma_wait3A_345 : memref<1x16x1024xf32, #tpu.memory_space<vmem>> -> memref<16x1024xf32, #tpu.memory_space<vmem>>
        %dma_wait3A_347 = arith.constant 0 : i32
        %dma_wait3A_348 = tpu.memref_slice %dma_wait3A_346[%dma_wait3A_332, %dma_wait3A_347] : memref<16x1024xf32, #tpu.memory_space<vmem>> -> memref<1x1024xf32, #tpu.memory_space<vmem>>
        %dma_wait3A_349 = tpu.memref_squeeze %dma_wait3A_348 : memref<1x1024xf32, #tpu.memory_space<vmem>> -> memref<1024xf32, #tpu.memory_space<vmem>>
        %dma_wait3A_350 = arith.constant 0 : i32
        %dma_wait3A_351 = tpu.memref_slice %arg11[%dma_wait3A_331, %dma_wait3A_350] : memref<64x1024xf32, #tpu.memory_space<vmem_shared>> -> memref<1x1024xf32, #tpu.memory_space<vmem_shared>>
        %dma_wait3A_352 = tpu.memref_squeeze %dma_wait3A_351 : memref<1x1024xf32, #tpu.memory_space<vmem_shared>> -> memref<1024xf32, #tpu.memory_space<vmem_shared>>
        tpu.wait_dma2 semaphore(%arg15 : memref<!tpu.dma_semaphore, #tpu.memory_space<semaphore_mem>>) src(%dma_wait3A_352 : memref<1024xf32, #tpu.memory_space<vmem_shared>>) dst(%dma_wait3A_349 : memref<1024xf32, #tpu.memory_space<vmem>>)
      } else {
      }
      %slice3A_232 = vector.extract_strided_slice %get3A_92 {offsets = [4], sizes = [1], strides = [1]} : vector<16xi32> to vector<1xi32>
      %squeeze3A_233 = vector.extract %slice3A_232[0] : i32 from vector<1xi32>
      %eq3A_234 = arith.constant 0 : i32
      %eq3A_235 = arith.cmpi eq, %squeeze3A_233, %eq3A_234 : i32
      %convert_element_type3A_236 = arith.extui %eq3A_235 : i1 to i32
      %cond3A_237 = arith.constant 0 : i32
      %cond3A_238 = arith.cmpi ne, %convert_element_type3A_236, %cond3A_237 : i32
      scf.if %cond3A_238 {
        %dma_wait3A_331 = arith.constant 0 : i32
        %dma_wait3A_332 = arith.constant 4 : i32
        %dma_wait3A_333 = arith.constant 0 : i32
        %dma_wait3A_334 = arith.constant 0 : i32
        %dma_wait3A_335 = tpu.memref_slice %arg12[%rem3A_69, %dma_wait3A_333, %dma_wait3A_334] : memref<4x16x1024xf32, #tpu.memory_space<vmem>> -> memref<1x16x1024xf32, #tpu.memory_space<vmem>>
        %dma_wait3A_336 = tpu.memref_squeeze %dma_wait3A_335 : memref<1x16x1024xf32, #tpu.memory_space<vmem>> -> memref<16x1024xf32, #tpu.memory_space<vmem>>
        %dma_wait3A_337 = arith.constant 0 : i32
        %dma_wait3A_338 = tpu.memref_slice %dma_wait3A_336[%dma_wait3A_332, %dma_wait3A_337] : memref<16x1024xf32, #tpu.memory_space<vmem>> -> memref<1x1024xf32, #tpu.memory_space<vmem>>
        %dma_wait3A_339 = tpu.memref_squeeze %dma_wait3A_338 : memref<1x1024xf32, #tpu.memory_space<vmem>> -> memref<1024xf32, #tpu.memory_space<vmem>>
        %dma_wait3A_340 = arith.constant 0 : i32
        %dma_wait3A_341 = tpu.memref_slice %arg11[%dma_wait3A_331, %dma_wait3A_340] : memref<64x1024xf32, #tpu.memory_space<vmem_shared>> -> memref<1x1024xf32, #tpu.memory_space<vmem_shared>>
        %dma_wait3A_342 = tpu.memref_squeeze %dma_wait3A_341 : memref<1x1024xf32, #tpu.memory_space<vmem_shared>> -> memref<1024xf32, #tpu.memory_space<vmem_shared>>
        %dma_wait3A_343 = arith.constant 0 : i32
        %dma_wait3A_344 = arith.constant 0 : i32
        %dma_wait3A_345 = tpu.memref_slice %arg12[%rem3A_69, %dma_wait3A_343, %dma_wait3A_344] : memref<4x16x1024xf32, #tpu.memory_space<vmem>> -> memref<1x16x1024xf32, #tpu.memory_space<vmem>>
        %dma_wait3A_346 = tpu.memref_squeeze %dma_wait3A_345 : memref<1x16x1024xf32, #tpu.memory_space<vmem>> -> memref<16x1024xf32, #tpu.memory_space<vmem>>
        %dma_wait3A_347 = arith.constant 0 : i32
        %dma_wait3A_348 = tpu.memref_slice %dma_wait3A_346[%dma_wait3A_332, %dma_wait3A_347] : memref<16x1024xf32, #tpu.memory_space<vmem>> -> memref<1x1024xf32, #tpu.memory_space<vmem>>
        %dma_wait3A_349 = tpu.memref_squeeze %dma_wait3A_348 : memref<1x1024xf32, #tpu.memory_space<vmem>> -> memref<1024xf32, #tpu.memory_space<vmem>>
        %dma_wait3A_350 = arith.constant 0 : i32
        %dma_wait3A_351 = tpu.memref_slice %arg11[%dma_wait3A_331, %dma_wait3A_350] : memref<64x1024xf32, #tpu.memory_space<vmem_shared>> -> memref<1x1024xf32, #tpu.memory_space<vmem_shared>>
        %dma_wait3A_352 = tpu.memref_squeeze %dma_wait3A_351 : memref<1x1024xf32, #tpu.memory_space<vmem_shared>> -> memref<1024xf32, #tpu.memory_space<vmem_shared>>
        tpu.wait_dma2 semaphore(%arg15 : memref<!tpu.dma_semaphore, #tpu.memory_space<semaphore_mem>>) src(%dma_wait3A_352 : memref<1024xf32, #tpu.memory_space<vmem_shared>>) dst(%dma_wait3A_349 : memref<1024xf32, #tpu.memory_space<vmem>>)
      } else {
      }
      %slice3A_239 = vector.extract_strided_slice %get3A_92 {offsets = [5], sizes = [1], strides = [1]} : vector<16xi32> to vector<1xi32>
      %squeeze3A_240 = vector.extract %slice3A_239[0] : i32 from vector<1xi32>
      %eq3A_241 = arith.constant 0 : i32
      %eq3A_242 = arith.cmpi eq, %squeeze3A_240, %eq3A_241 : i32
      %convert_element_type3A_243 = arith.extui %eq3A_242 : i1 to i32
      %cond3A_244 = arith.constant 0 : i32
      %cond3A_245 = arith.cmpi ne, %convert_element_type3A_243, %cond3A_244 : i32
      scf.if %cond3A_245 {
        %dma_wait3A_331 = arith.constant 0 : i32
        %dma_wait3A_332 = arith.constant 5 : i32
        %dma_wait3A_333 = arith.constant 0 : i32
        %dma_wait3A_334 = arith.constant 0 : i32
        %dma_wait3A_335 = tpu.memref_slice %arg12[%rem3A_69, %dma_wait3A_333, %dma_wait3A_334] : memref<4x16x1024xf32, #tpu.memory_space<vmem>> -> memref<1x16x1024xf32, #tpu.memory_space<vmem>>
        %dma_wait3A_336 = tpu.memref_squeeze %dma_wait3A_335 : memref<1x16x1024xf32, #tpu.memory_space<vmem>> -> memref<16x1024xf32, #tpu.memory_space<vmem>>
        %dma_wait3A_337 = arith.constant 0 : i32
        %dma_wait3A_338 = tpu.memref_slice %dma_wait3A_336[%dma_wait3A_332, %dma_wait3A_337] : memref<16x1024xf32, #tpu.memory_space<vmem>> -> memref<1x1024xf32, #tpu.memory_space<vmem>>
        %dma_wait3A_339 = tpu.memref_squeeze %dma_wait3A_338 : memref<1x1024xf32, #tpu.memory_space<vmem>> -> memref<1024xf32, #tpu.memory_space<vmem>>
        %dma_wait3A_340 = arith.constant 0 : i32
        %dma_wait3A_341 = tpu.memref_slice %arg11[%dma_wait3A_331, %dma_wait3A_340] : memref<64x1024xf32, #tpu.memory_space<vmem_shared>> -> memref<1x1024xf32, #tpu.memory_space<vmem_shared>>
        %dma_wait3A_342 = tpu.memref_squeeze %dma_wait3A_341 : memref<1x1024xf32, #tpu.memory_space<vmem_shared>> -> memref<1024xf32, #tpu.memory_space<vmem_shared>>
        %dma_wait3A_343 = arith.constant 0 : i32
        %dma_wait3A_344 = arith.constant 0 : i32
        %dma_wait3A_345 = tpu.memref_slice %arg12[%rem3A_69, %dma_wait3A_343, %dma_wait3A_344] : memref<4x16x1024xf32, #tpu.memory_space<vmem>> -> memref<1x16x1024xf32, #tpu.memory_space<vmem>>
        %dma_wait3A_346 = tpu.memref_squeeze %dma_wait3A_345 : memref<1x16x1024xf32, #tpu.memory_space<vmem>> -> memref<16x1024xf32, #tpu.memory_space<vmem>>
        %dma_wait3A_347 = arith.constant 0 : i32
        %dma_wait3A_348 = tpu.memref_slice %dma_wait3A_346[%dma_wait3A_332, %dma_wait3A_347] : memref<16x1024xf32, #tpu.memory_space<vmem>> -> memref<1x1024xf32, #tpu.memory_space<vmem>>
        %dma_wait3A_349 = tpu.memref_squeeze %dma_wait3A_348 : memref<1x1024xf32, #tpu.memory_space<vmem>> -> memref<1024xf32, #tpu.memory_space<vmem>>
        %dma_wait3A_350 = arith.constant 0 : i32
        %dma_wait3A_351 = tpu.memref_slice %arg11[%dma_wait3A_331, %dma_wait3A_350] : memref<64x1024xf32, #tpu.memory_space<vmem_shared>> -> memref<1x1024xf32, #tpu.memory_space<vmem_shared>>
        %dma_wait3A_352 = tpu.memref_squeeze %dma_wait3A_351 : memref<1x1024xf32, #tpu.memory_space<vmem_shared>> -> memref<1024xf32, #tpu.memory_space<vmem_shared>>
        tpu.wait_dma2 semaphore(%arg15 : memref<!tpu.dma_semaphore, #tpu.memory_space<semaphore_mem>>) src(%dma_wait3A_352 : memref<1024xf32, #tpu.memory_space<vmem_shared>>) dst(%dma_wait3A_349 : memref<1024xf32, #tpu.memory_space<vmem>>)
      } else {
      }
      %slice3A_246 = vector.extract_strided_slice %get3A_92 {offsets = [6], sizes = [1], strides = [1]} : vector<16xi32> to vector<1xi32>
      %squeeze3A_247 = vector.extract %slice3A_246[0] : i32 from vector<1xi32>
      %eq3A_248 = arith.constant 0 : i32
      %eq3A_249 = arith.cmpi eq, %squeeze3A_247, %eq3A_248 : i32
      %convert_element_type3A_250 = arith.extui %eq3A_249 : i1 to i32
      %cond3A_251 = arith.constant 0 : i32
      %cond3A_252 = arith.cmpi ne, %convert_element_type3A_250, %cond3A_251 : i32
      scf.if %cond3A_252 {
        %dma_wait3A_331 = arith.constant 0 : i32
        %dma_wait3A_332 = arith.constant 6 : i32
        %dma_wait3A_333 = arith.constant 0 : i32
        %dma_wait3A_334 = arith.constant 0 : i32
        %dma_wait3A_335 = tpu.memref_slice %arg12[%rem3A_69, %dma_wait3A_333, %dma_wait3A_334] : memref<4x16x1024xf32, #tpu.memory_space<vmem>> -> memref<1x16x1024xf32, #tpu.memory_space<vmem>>
        %dma_wait3A_336 = tpu.memref_squeeze %dma_wait3A_335 : memref<1x16x1024xf32, #tpu.memory_space<vmem>> -> memref<16x1024xf32, #tpu.memory_space<vmem>>
        %dma_wait3A_337 = arith.constant 0 : i32
        %dma_wait3A_338 = tpu.memref_slice %dma_wait3A_336[%dma_wait3A_332, %dma_wait3A_337] : memref<16x1024xf32, #tpu.memory_space<vmem>> -> memref<1x1024xf32, #tpu.memory_space<vmem>>
        %dma_wait3A_339 = tpu.memref_squeeze %dma_wait3A_338 : memref<1x1024xf32, #tpu.memory_space<vmem>> -> memref<1024xf32, #tpu.memory_space<vmem>>
        %dma_wait3A_340 = arith.constant 0 : i32
        %dma_wait3A_341 = tpu.memref_slice %arg11[%dma_wait3A_331, %dma_wait3A_340] : memref<64x1024xf32, #tpu.memory_space<vmem_shared>> -> memref<1x1024xf32, #tpu.memory_space<vmem_shared>>
        %dma_wait3A_342 = tpu.memref_squeeze %dma_wait3A_341 : memref<1x1024xf32, #tpu.memory_space<vmem_shared>> -> memref<1024xf32, #tpu.memory_space<vmem_shared>>
        %dma_wait3A_343 = arith.constant 0 : i32
        %dma_wait3A_344 = arith.constant 0 : i32
        %dma_wait3A_345 = tpu.memref_slice %arg12[%rem3A_69, %dma_wait3A_343, %dma_wait3A_344] : memref<4x16x1024xf32, #tpu.memory_space<vmem>> -> memref<1x16x1024xf32, #tpu.memory_space<vmem>>
        %dma_wait3A_346 = tpu.memref_squeeze %dma_wait3A_345 : memref<1x16x1024xf32, #tpu.memory_space<vmem>> -> memref<16x1024xf32, #tpu.memory_space<vmem>>
        %dma_wait3A_347 = arith.constant 0 : i32
        %dma_wait3A_348 = tpu.memref_slice %dma_wait3A_346[%dma_wait3A_332, %dma_wait3A_347] : memref<16x1024xf32, #tpu.memory_space<vmem>> -> memref<1x1024xf32, #tpu.memory_space<vmem>>
        %dma_wait3A_349 = tpu.memref_squeeze %dma_wait3A_348 : memref<1x1024xf32, #tpu.memory_space<vmem>> -> memref<1024xf32, #tpu.memory_space<vmem>>
        %dma_wait3A_350 = arith.constant 0 : i32
        %dma_wait3A_351 = tpu.memref_slice %arg11[%dma_wait3A_331, %dma_wait3A_350] : memref<64x1024xf32, #tpu.memory_space<vmem_shared>> -> memref<1x1024xf32, #tpu.memory_space<vmem_shared>>
        %dma_wait3A_352 = tpu.memref_squeeze %dma_wait3A_351 : memref<1x1024xf32, #tpu.memory_space<vmem_shared>> -> memref<1024xf32, #tpu.memory_space<vmem_shared>>
        tpu.wait_dma2 semaphore(%arg15 : memref<!tpu.dma_semaphore, #tpu.memory_space<semaphore_mem>>) src(%dma_wait3A_352 : memref<1024xf32, #tpu.memory_space<vmem_shared>>) dst(%dma_wait3A_349 : memref<1024xf32, #tpu.memory_space<vmem>>)
      } else {
      }
      %slice3A_253 = vector.extract_strided_slice %get3A_92 {offsets = [7], sizes = [1], strides = [1]} : vector<16xi32> to vector<1xi32>
      %squeeze3A_254 = vector.extract %slice3A_253[0] : i32 from vector<1xi32>
      %eq3A_255 = arith.constant 0 : i32
      %eq3A_256 = arith.cmpi eq, %squeeze3A_254, %eq3A_255 : i32
      %convert_element_type3A_257 = arith.extui %eq3A_256 : i1 to i32
      %cond3A_258 = arith.constant 0 : i32
      %cond3A_259 = arith.cmpi ne, %convert_element_type3A_257, %cond3A_258 : i32
      scf.if %cond3A_259 {
        %dma_wait3A_331 = arith.constant 0 : i32
        %dma_wait3A_332 = arith.constant 7 : i32
        %dma_wait3A_333 = arith.constant 0 : i32
        %dma_wait3A_334 = arith.constant 0 : i32
        %dma_wait3A_335 = tpu.memref_slice %arg12[%rem3A_69, %dma_wait3A_333, %dma_wait3A_334] : memref<4x16x1024xf32, #tpu.memory_space<vmem>> -> memref<1x16x1024xf32, #tpu.memory_space<vmem>>
        %dma_wait3A_336 = tpu.memref_squeeze %dma_wait3A_335 : memref<1x16x1024xf32, #tpu.memory_space<vmem>> -> memref<16x1024xf32, #tpu.memory_space<vmem>>
        %dma_wait3A_337 = arith.constant 0 : i32
        %dma_wait3A_338 = tpu.memref_slice %dma_wait3A_336[%dma_wait3A_332, %dma_wait3A_337] : memref<16x1024xf32, #tpu.memory_space<vmem>> -> memref<1x1024xf32, #tpu.memory_space<vmem>>
        %dma_wait3A_339 = tpu.memref_squeeze %dma_wait3A_338 : memref<1x1024xf32, #tpu.memory_space<vmem>> -> memref<1024xf32, #tpu.memory_space<vmem>>
        %dma_wait3A_340 = arith.constant 0 : i32
        %dma_wait3A_341 = tpu.memref_slice %arg11[%dma_wait3A_331, %dma_wait3A_340] : memref<64x1024xf32, #tpu.memory_space<vmem_shared>> -> memref<1x1024xf32, #tpu.memory_space<vmem_shared>>
        %dma_wait3A_342 = tpu.memref_squeeze %dma_wait3A_341 : memref<1x1024xf32, #tpu.memory_space<vmem_shared>> -> memref<1024xf32, #tpu.memory_space<vmem_shared>>
        %dma_wait3A_343 = arith.constant 0 : i32
        %dma_wait3A_344 = arith.constant 0 : i32
        %dma_wait3A_345 = tpu.memref_slice %arg12[%rem3A_69, %dma_wait3A_343, %dma_wait3A_344] : memref<4x16x1024xf32, #tpu.memory_space<vmem>> -> memref<1x16x1024xf32, #tpu.memory_space<vmem>>
        %dma_wait3A_346 = tpu.memref_squeeze %dma_wait3A_345 : memref<1x16x1024xf32, #tpu.memory_space<vmem>> -> memref<16x1024xf32, #tpu.memory_space<vmem>>
        %dma_wait3A_347 = arith.constant 0 : i32
        %dma_wait3A_348 = tpu.memref_slice %dma_wait3A_346[%dma_wait3A_332, %dma_wait3A_347] : memref<16x1024xf32, #tpu.memory_space<vmem>> -> memref<1x1024xf32, #tpu.memory_space<vmem>>
        %dma_wait3A_349 = tpu.memref_squeeze %dma_wait3A_348 : memref<1x1024xf32, #tpu.memory_space<vmem>> -> memref<1024xf32, #tpu.memory_space<vmem>>
        %dma_wait3A_350 = arith.constant 0 : i32
        %dma_wait3A_351 = tpu.memref_slice %arg11[%dma_wait3A_331, %dma_wait3A_350] : memref<64x1024xf32, #tpu.memory_space<vmem_shared>> -> memref<1x1024xf32, #tpu.memory_space<vmem_shared>>
        %dma_wait3A_352 = tpu.memref_squeeze %dma_wait3A_351 : memref<1x1024xf32, #tpu.memory_space<vmem_shared>> -> memref<1024xf32, #tpu.memory_space<vmem_shared>>
        tpu.wait_dma2 semaphore(%arg15 : memref<!tpu.dma_semaphore, #tpu.memory_space<semaphore_mem>>) src(%dma_wait3A_352 : memref<1024xf32, #tpu.memory_space<vmem_shared>>) dst(%dma_wait3A_349 : memref<1024xf32, #tpu.memory_space<vmem>>)
      } else {
      }
      %slice3A_260 = vector.extract_strided_slice %get3A_92 {offsets = [8], sizes = [1], strides = [1]} : vector<16xi32> to vector<1xi32>
      %squeeze3A_261 = vector.extract %slice3A_260[0] : i32 from vector<1xi32>
      %eq3A_262 = arith.constant 0 : i32
      %eq3A_263 = arith.cmpi eq, %squeeze3A_261, %eq3A_262 : i32
      %convert_element_type3A_264 = arith.extui %eq3A_263 : i1 to i32
      %cond3A_265 = arith.constant 0 : i32
      %cond3A_266 = arith.cmpi ne, %convert_element_type3A_264, %cond3A_265 : i32
      scf.if %cond3A_266 {
        %dma_wait3A_331 = arith.constant 0 : i32
        %dma_wait3A_332 = arith.constant 8 : i32
        %dma_wait3A_333 = arith.constant 0 : i32
        %dma_wait3A_334 = arith.constant 0 : i32
        %dma_wait3A_335 = tpu.memref_slice %arg12[%rem3A_69, %dma_wait3A_333, %dma_wait3A_334] : memref<4x16x1024xf32, #tpu.memory_space<vmem>> -> memref<1x16x1024xf32, #tpu.memory_space<vmem>>
        %dma_wait3A_336 = tpu.memref_squeeze %dma_wait3A_335 : memref<1x16x1024xf32, #tpu.memory_space<vmem>> -> memref<16x1024xf32, #tpu.memory_space<vmem>>
        %dma_wait3A_337 = arith.constant 0 : i32
        %dma_wait3A_338 = tpu.memref_slice %dma_wait3A_336[%dma_wait3A_332, %dma_wait3A_337] : memref<16x1024xf32, #tpu.memory_space<vmem>> -> memref<1x1024xf32, #tpu.memory_space<vmem>>
        %dma_wait3A_339 = tpu.memref_squeeze %dma_wait3A_338 : memref<1x1024xf32, #tpu.memory_space<vmem>> -> memref<1024xf32, #tpu.memory_space<vmem>>
        %dma_wait3A_340 = arith.constant 0 : i32
        %dma_wait3A_341 = tpu.memref_slice %arg11[%dma_wait3A_331, %dma_wait3A_340] : memref<64x1024xf32, #tpu.memory_space<vmem_shared>> -> memref<1x1024xf32, #tpu.memory_space<vmem_shared>>
        %dma_wait3A_342 = tpu.memref_squeeze %dma_wait3A_341 : memref<1x1024xf32, #tpu.memory_space<vmem_shared>> -> memref<1024xf32, #tpu.memory_space<vmem_shared>>
        %dma_wait3A_343 = arith.constant 0 : i32
        %dma_wait3A_344 = arith.constant 0 : i32
        %dma_wait3A_345 = tpu.memref_slice %arg12[%rem3A_69, %dma_wait3A_343, %dma_wait3A_344] : memref<4x16x1024xf32, #tpu.memory_space<vmem>> -> memref<1x16x1024xf32, #tpu.memory_space<vmem>>
        %dma_wait3A_346 = tpu.memref_squeeze %dma_wait3A_345 : memref<1x16x1024xf32, #tpu.memory_space<vmem>> -> memref<16x1024xf32, #tpu.memory_space<vmem>>
        %dma_wait3A_347 = arith.constant 0 : i32
        %dma_wait3A_348 = tpu.memref_slice %dma_wait3A_346[%dma_wait3A_332, %dma_wait3A_347] : memref<16x1024xf32, #tpu.memory_space<vmem>> -> memref<1x1024xf32, #tpu.memory_space<vmem>>
        %dma_wait3A_349 = tpu.memref_squeeze %dma_wait3A_348 : memref<1x1024xf32, #tpu.memory_space<vmem>> -> memref<1024xf32, #tpu.memory_space<vmem>>
        %dma_wait3A_350 = arith.constant 0 : i32
        %dma_wait3A_351 = tpu.memref_slice %arg11[%dma_wait3A_331, %dma_wait3A_350] : memref<64x1024xf32, #tpu.memory_space<vmem_shared>> -> memref<1x1024xf32, #tpu.memory_space<vmem_shared>>
        %dma_wait3A_352 = tpu.memref_squeeze %dma_wait3A_351 : memref<1x1024xf32, #tpu.memory_space<vmem_shared>> -> memref<1024xf32, #tpu.memory_space<vmem_shared>>
        tpu.wait_dma2 semaphore(%arg15 : memref<!tpu.dma_semaphore, #tpu.memory_space<semaphore_mem>>) src(%dma_wait3A_352 : memref<1024xf32, #tpu.memory_space<vmem_shared>>) dst(%dma_wait3A_349 : memref<1024xf32, #tpu.memory_space<vmem>>)
      } else {
      }
      %slice3A_267 = vector.extract_strided_slice %get3A_92 {offsets = [9], sizes = [1], strides = [1]} : vector<16xi32> to vector<1xi32>
      %squeeze3A_268 = vector.extract %slice3A_267[0] : i32 from vector<1xi32>
      %eq3A_269 = arith.constant 0 : i32
      %eq3A_270 = arith.cmpi eq, %squeeze3A_268, %eq3A_269 : i32
      %convert_element_type3A_271 = arith.extui %eq3A_270 : i1 to i32
      %cond3A_272 = arith.constant 0 : i32
      %cond3A_273 = arith.cmpi ne, %convert_element_type3A_271, %cond3A_272 : i32
      scf.if %cond3A_273 {
        %dma_wait3A_331 = arith.constant 0 : i32
        %dma_wait3A_332 = arith.constant 9 : i32
        %dma_wait3A_333 = arith.constant 0 : i32
        %dma_wait3A_334 = arith.constant 0 : i32
        %dma_wait3A_335 = tpu.memref_slice %arg12[%rem3A_69, %dma_wait3A_333, %dma_wait3A_334] : memref<4x16x1024xf32, #tpu.memory_space<vmem>> -> memref<1x16x1024xf32, #tpu.memory_space<vmem>>
        %dma_wait3A_336 = tpu.memref_squeeze %dma_wait3A_335 : memref<1x16x1024xf32, #tpu.memory_space<vmem>> -> memref<16x1024xf32, #tpu.memory_space<vmem>>
        %dma_wait3A_337 = arith.constant 0 : i32
        %dma_wait3A_338 = tpu.memref_slice %dma_wait3A_336[%dma_wait3A_332, %dma_wait3A_337] : memref<16x1024xf32, #tpu.memory_space<vmem>> -> memref<1x1024xf32, #tpu.memory_space<vmem>>
        %dma_wait3A_339 = tpu.memref_squeeze %dma_wait3A_338 : memref<1x1024xf32, #tpu.memory_space<vmem>> -> memref<1024xf32, #tpu.memory_space<vmem>>
        %dma_wait3A_340 = arith.constant 0 : i32
        %dma_wait3A_341 = tpu.memref_slice %arg11[%dma_wait3A_331, %dma_wait3A_340] : memref<64x1024xf32, #tpu.memory_space<vmem_shared>> -> memref<1x1024xf32, #tpu.memory_space<vmem_shared>>
        %dma_wait3A_342 = tpu.memref_squeeze %dma_wait3A_341 : memref<1x1024xf32, #tpu.memory_space<vmem_shared>> -> memref<1024xf32, #tpu.memory_space<vmem_shared>>
        %dma_wait3A_343 = arith.constant 0 : i32
        %dma_wait3A_344 = arith.constant 0 : i32
        %dma_wait3A_345 = tpu.memref_slice %arg12[%rem3A_69, %dma_wait3A_343, %dma_wait3A_344] : memref<4x16x1024xf32, #tpu.memory_space<vmem>> -> memref<1x16x1024xf32, #tpu.memory_space<vmem>>
        %dma_wait3A_346 = tpu.memref_squeeze %dma_wait3A_345 : memref<1x16x1024xf32, #tpu.memory_space<vmem>> -> memref<16x1024xf32, #tpu.memory_space<vmem>>
        %dma_wait3A_347 = arith.constant 0 : i32
        %dma_wait3A_348 = tpu.memref_slice %dma_wait3A_346[%dma_wait3A_332, %dma_wait3A_347] : memref<16x1024xf32, #tpu.memory_space<vmem>> -> memref<1x1024xf32, #tpu.memory_space<vmem>>
        %dma_wait3A_349 = tpu.memref_squeeze %dma_wait3A_348 : memref<1x1024xf32, #tpu.memory_space<vmem>> -> memref<1024xf32, #tpu.memory_space<vmem>>
        %dma_wait3A_350 = arith.constant 0 : i32
        %dma_wait3A_351 = tpu.memref_slice %arg11[%dma_wait3A_331, %dma_wait3A_350] : memref<64x1024xf32, #tpu.memory_space<vmem_shared>> -> memref<1x1024xf32, #tpu.memory_space<vmem_shared>>
        %dma_wait3A_352 = tpu.memref_squeeze %dma_wait3A_351 : memref<1x1024xf32, #tpu.memory_space<vmem_shared>> -> memref<1024xf32, #tpu.memory_space<vmem_shared>>
        tpu.wait_dma2 semaphore(%arg15 : memref<!tpu.dma_semaphore, #tpu.memory_space<semaphore_mem>>) src(%dma_wait3A_352 : memref<1024xf32, #tpu.memory_space<vmem_shared>>) dst(%dma_wait3A_349 : memref<1024xf32, #tpu.memory_space<vmem>>)
      } else {
      }
      %slice3A_274 = vector.extract_strided_slice %get3A_92 {offsets = [10], sizes = [1], strides = [1]} : vector<16xi32> to vector<1xi32>
      %squeeze3A_275 = vector.extract %slice3A_274[0] : i32 from vector<1xi32>
      %eq3A_276 = arith.constant 0 : i32
      %eq3A_277 = arith.cmpi eq, %squeeze3A_275, %eq3A_276 : i32
      %convert_element_type3A_278 = arith.extui %eq3A_277 : i1 to i32
      %cond3A_279 = arith.constant 0 : i32
      %cond3A_280 = arith.cmpi ne, %convert_element_type3A_278, %cond3A_279 : i32
      scf.if %cond3A_280 {
        %dma_wait3A_331 = arith.constant 0 : i32
        %dma_wait3A_332 = arith.constant 10 : i32
        %dma_wait3A_333 = arith.constant 0 : i32
        %dma_wait3A_334 = arith.constant 0 : i32
        %dma_wait3A_335 = tpu.memref_slice %arg12[%rem3A_69, %dma_wait3A_333, %dma_wait3A_334] : memref<4x16x1024xf32, #tpu.memory_space<vmem>> -> memref<1x16x1024xf32, #tpu.memory_space<vmem>>
        %dma_wait3A_336 = tpu.memref_squeeze %dma_wait3A_335 : memref<1x16x1024xf32, #tpu.memory_space<vmem>> -> memref<16x1024xf32, #tpu.memory_space<vmem>>
        %dma_wait3A_337 = arith.constant 0 : i32
        %dma_wait3A_338 = tpu.memref_slice %dma_wait3A_336[%dma_wait3A_332, %dma_wait3A_337] : memref<16x1024xf32, #tpu.memory_space<vmem>> -> memref<1x1024xf32, #tpu.memory_space<vmem>>
        %dma_wait3A_339 = tpu.memref_squeeze %dma_wait3A_338 : memref<1x1024xf32, #tpu.memory_space<vmem>> -> memref<1024xf32, #tpu.memory_space<vmem>>
        %dma_wait3A_340 = arith.constant 0 : i32
        %dma_wait3A_341 = tpu.memref_slice %arg11[%dma_wait3A_331, %dma_wait3A_340] : memref<64x1024xf32, #tpu.memory_space<vmem_shared>> -> memref<1x1024xf32, #tpu.memory_space<vmem_shared>>
        %dma_wait3A_342 = tpu.memref_squeeze %dma_wait3A_341 : memref<1x1024xf32, #tpu.memory_space<vmem_shared>> -> memref<1024xf32, #tpu.memory_space<vmem_shared>>
        %dma_wait3A_343 = arith.constant 0 : i32
        %dma_wait3A_344 = arith.constant 0 : i32
        %dma_wait3A_345 = tpu.memref_slice %arg12[%rem3A_69, %dma_wait3A_343, %dma_wait3A_344] : memref<4x16x1024xf32, #tpu.memory_space<vmem>> -> memref<1x16x1024xf32, #tpu.memory_space<vmem>>
        %dma_wait3A_346 = tpu.memref_squeeze %dma_wait3A_345 : memref<1x16x1024xf32, #tpu.memory_space<vmem>> -> memref<16x1024xf32, #tpu.memory_space<vmem>>
        %dma_wait3A_347 = arith.constant 0 : i32
        %dma_wait3A_348 = tpu.memref_slice %dma_wait3A_346[%dma_wait3A_332, %dma_wait3A_347] : memref<16x1024xf32, #tpu.memory_space<vmem>> -> memref<1x1024xf32, #tpu.memory_space<vmem>>
        %dma_wait3A_349 = tpu.memref_squeeze %dma_wait3A_348 : memref<1x1024xf32, #tpu.memory_space<vmem>> -> memref<1024xf32, #tpu.memory_space<vmem>>
        %dma_wait3A_350 = arith.constant 0 : i32
        %dma_wait3A_351 = tpu.memref_slice %arg11[%dma_wait3A_331, %dma_wait3A_350] : memref<64x1024xf32, #tpu.memory_space<vmem_shared>> -> memref<1x1024xf32, #tpu.memory_space<vmem_shared>>
        %dma_wait3A_352 = tpu.memref_squeeze %dma_wait3A_351 : memref<1x1024xf32, #tpu.memory_space<vmem_shared>> -> memref<1024xf32, #tpu.memory_space<vmem_shared>>
        tpu.wait_dma2 semaphore(%arg15 : memref<!tpu.dma_semaphore, #tpu.memory_space<semaphore_mem>>) src(%dma_wait3A_352 : memref<1024xf32, #tpu.memory_space<vmem_shared>>) dst(%dma_wait3A_349 : memref<1024xf32, #tpu.memory_space<vmem>>)
      } else {
      }
      %slice3A_281 = vector.extract_strided_slice %get3A_92 {offsets = [11], sizes = [1], strides = [1]} : vector<16xi32> to vector<1xi32>
      %squeeze3A_282 = vector.extract %slice3A_281[0] : i32 from vector<1xi32>
      %eq3A_283 = arith.constant 0 : i32
      %eq3A_284 = arith.cmpi eq, %squeeze3A_282, %eq3A_283 : i32
      %convert_element_type3A_285 = arith.extui %eq3A_284 : i1 to i32
      %cond3A_286 = arith.constant 0 : i32
      %cond3A_287 = arith.cmpi ne, %convert_element_type3A_285, %cond3A_286 : i32
      scf.if %cond3A_287 {
        %dma_wait3A_331 = arith.constant 0 : i32
        %dma_wait3A_332 = arith.constant 11 : i32
        %dma_wait3A_333 = arith.constant 0 : i32
        %dma_wait3A_334 = arith.constant 0 : i32
        %dma_wait3A_335 = tpu.memref_slice %arg12[%rem3A_69, %dma_wait3A_333, %dma_wait3A_334] : memref<4x16x1024xf32, #tpu.memory_space<vmem>> -> memref<1x16x1024xf32, #tpu.memory_space<vmem>>
        %dma_wait3A_336 = tpu.memref_squeeze %dma_wait3A_335 : memref<1x16x1024xf32, #tpu.memory_space<vmem>> -> memref<16x1024xf32, #tpu.memory_space<vmem>>
        %dma_wait3A_337 = arith.constant 0 : i32
        %dma_wait3A_338 = tpu.memref_slice %dma_wait3A_336[%dma_wait3A_332, %dma_wait3A_337] : memref<16x1024xf32, #tpu.memory_space<vmem>> -> memref<1x1024xf32, #tpu.memory_space<vmem>>
        %dma_wait3A_339 = tpu.memref_squeeze %dma_wait3A_338 : memref<1x1024xf32, #tpu.memory_space<vmem>> -> memref<1024xf32, #tpu.memory_space<vmem>>
        %dma_wait3A_340 = arith.constant 0 : i32
        %dma_wait3A_341 = tpu.memref_slice %arg11[%dma_wait3A_331, %dma_wait3A_340] : memref<64x1024xf32, #tpu.memory_space<vmem_shared>> -> memref<1x1024xf32, #tpu.memory_space<vmem_shared>>
        %dma_wait3A_342 = tpu.memref_squeeze %dma_wait3A_341 : memref<1x1024xf32, #tpu.memory_space<vmem_shared>> -> memref<1024xf32, #tpu.memory_space<vmem_shared>>
        %dma_wait3A_343 = arith.constant 0 : i32
        %dma_wait3A_344 = arith.constant 0 : i32
        %dma_wait3A_345 = tpu.memref_slice %arg12[%rem3A_69, %dma_wait3A_343, %dma_wait3A_344] : memref<4x16x1024xf32, #tpu.memory_space<vmem>> -> memref<1x16x1024xf32, #tpu.memory_space<vmem>>
        %dma_wait3A_346 = tpu.memref_squeeze %dma_wait3A_345 : memref<1x16x1024xf32, #tpu.memory_space<vmem>> -> memref<16x1024xf32, #tpu.memory_space<vmem>>
        %dma_wait3A_347 = arith.constant 0 : i32
        %dma_wait3A_348 = tpu.memref_slice %dma_wait3A_346[%dma_wait3A_332, %dma_wait3A_347] : memref<16x1024xf32, #tpu.memory_space<vmem>> -> memref<1x1024xf32, #tpu.memory_space<vmem>>
        %dma_wait3A_349 = tpu.memref_squeeze %dma_wait3A_348 : memref<1x1024xf32, #tpu.memory_space<vmem>> -> memref<1024xf32, #tpu.memory_space<vmem>>
        %dma_wait3A_350 = arith.constant 0 : i32
        %dma_wait3A_351 = tpu.memref_slice %arg11[%dma_wait3A_331, %dma_wait3A_350] : memref<64x1024xf32, #tpu.memory_space<vmem_shared>> -> memref<1x1024xf32, #tpu.memory_space<vmem_shared>>
        %dma_wait3A_352 = tpu.memref_squeeze %dma_wait3A_351 : memref<1x1024xf32, #tpu.memory_space<vmem_shared>> -> memref<1024xf32, #tpu.memory_space<vmem_shared>>
        tpu.wait_dma2 semaphore(%arg15 : memref<!tpu.dma_semaphore, #tpu.memory_space<semaphore_mem>>) src(%dma_wait3A_352 : memref<1024xf32, #tpu.memory_space<vmem_shared>>) dst(%dma_wait3A_349 : memref<1024xf32, #tpu.memory_space<vmem>>)
      } else {
      }
      %slice3A_288 = vector.extract_strided_slice %get3A_92 {offsets = [12], sizes = [1], strides = [1]} : vector<16xi32> to vector<1xi32>
      %squeeze3A_289 = vector.extract %slice3A_288[0] : i32 from vector<1xi32>
      %eq3A_290 = arith.constant 0 : i32
      %eq3A_291 = arith.cmpi eq, %squeeze3A_289, %eq3A_290 : i32
      %convert_element_type3A_292 = arith.extui %eq3A_291 : i1 to i32
      %cond3A_293 = arith.constant 0 : i32
      %cond3A_294 = arith.cmpi ne, %convert_element_type3A_292, %cond3A_293 : i32
      scf.if %cond3A_294 {
        %dma_wait3A_331 = arith.constant 0 : i32
        %dma_wait3A_332 = arith.constant 12 : i32
        %dma_wait3A_333 = arith.constant 0 : i32
        %dma_wait3A_334 = arith.constant 0 : i32
        %dma_wait3A_335 = tpu.memref_slice %arg12[%rem3A_69, %dma_wait3A_333, %dma_wait3A_334] : memref<4x16x1024xf32, #tpu.memory_space<vmem>> -> memref<1x16x1024xf32, #tpu.memory_space<vmem>>
        %dma_wait3A_336 = tpu.memref_squeeze %dma_wait3A_335 : memref<1x16x1024xf32, #tpu.memory_space<vmem>> -> memref<16x1024xf32, #tpu.memory_space<vmem>>
        %dma_wait3A_337 = arith.constant 0 : i32
        %dma_wait3A_338 = tpu.memref_slice %dma_wait3A_336[%dma_wait3A_332, %dma_wait3A_337] : memref<16x1024xf32, #tpu.memory_space<vmem>> -> memref<1x1024xf32, #tpu.memory_space<vmem>>
        %dma_wait3A_339 = tpu.memref_squeeze %dma_wait3A_338 : memref<1x1024xf32, #tpu.memory_space<vmem>> -> memref<1024xf32, #tpu.memory_space<vmem>>
        %dma_wait3A_340 = arith.constant 0 : i32
        %dma_wait3A_341 = tpu.memref_slice %arg11[%dma_wait3A_331, %dma_wait3A_340] : memref<64x1024xf32, #tpu.memory_space<vmem_shared>> -> memref<1x1024xf32, #tpu.memory_space<vmem_shared>>
        %dma_wait3A_342 = tpu.memref_squeeze %dma_wait3A_341 : memref<1x1024xf32, #tpu.memory_space<vmem_shared>> -> memref<1024xf32, #tpu.memory_space<vmem_shared>>
        %dma_wait3A_343 = arith.constant 0 : i32
        %dma_wait3A_344 = arith.constant 0 : i32
        %dma_wait3A_345 = tpu.memref_slice %arg12[%rem3A_69, %dma_wait3A_343, %dma_wait3A_344] : memref<4x16x1024xf32, #tpu.memory_space<vmem>> -> memref<1x16x1024xf32, #tpu.memory_space<vmem>>
        %dma_wait3A_346 = tpu.memref_squeeze %dma_wait3A_345 : memref<1x16x1024xf32, #tpu.memory_space<vmem>> -> memref<16x1024xf32, #tpu.memory_space<vmem>>
        %dma_wait3A_347 = arith.constant 0 : i32
        %dma_wait3A_348 = tpu.memref_slice %dma_wait3A_346[%dma_wait3A_332, %dma_wait3A_347] : memref<16x1024xf32, #tpu.memory_space<vmem>> -> memref<1x1024xf32, #tpu.memory_space<vmem>>
        %dma_wait3A_349 = tpu.memref_squeeze %dma_wait3A_348 : memref<1x1024xf32, #tpu.memory_space<vmem>> -> memref<1024xf32, #tpu.memory_space<vmem>>
        %dma_wait3A_350 = arith.constant 0 : i32
        %dma_wait3A_351 = tpu.memref_slice %arg11[%dma_wait3A_331, %dma_wait3A_350] : memref<64x1024xf32, #tpu.memory_space<vmem_shared>> -> memref<1x1024xf32, #tpu.memory_space<vmem_shared>>
        %dma_wait3A_352 = tpu.memref_squeeze %dma_wait3A_351 : memref<1x1024xf32, #tpu.memory_space<vmem_shared>> -> memref<1024xf32, #tpu.memory_space<vmem_shared>>
        tpu.wait_dma2 semaphore(%arg15 : memref<!tpu.dma_semaphore, #tpu.memory_space<semaphore_mem>>) src(%dma_wait3A_352 : memref<1024xf32, #tpu.memory_space<vmem_shared>>) dst(%dma_wait3A_349 : memref<1024xf32, #tpu.memory_space<vmem>>)
      } else {
      }
      %slice3A_295 = vector.extract_strided_slice %get3A_92 {offsets = [13], sizes = [1], strides = [1]} : vector<16xi32> to vector<1xi32>
      %squeeze3A_296 = vector.extract %slice3A_295[0] : i32 from vector<1xi32>
      %eq3A_297 = arith.constant 0 : i32
      %eq3A_298 = arith.cmpi eq, %squeeze3A_296, %eq3A_297 : i32
      %convert_element_type3A_299 = arith.extui %eq3A_298 : i1 to i32
      %cond3A_300 = arith.constant 0 : i32
      %cond3A_301 = arith.cmpi ne, %convert_element_type3A_299, %cond3A_300 : i32
      scf.if %cond3A_301 {
        %dma_wait3A_331 = arith.constant 0 : i32
        %dma_wait3A_332 = arith.constant 13 : i32
        %dma_wait3A_333 = arith.constant 0 : i32
        %dma_wait3A_334 = arith.constant 0 : i32
        %dma_wait3A_335 = tpu.memref_slice %arg12[%rem3A_69, %dma_wait3A_333, %dma_wait3A_334] : memref<4x16x1024xf32, #tpu.memory_space<vmem>> -> memref<1x16x1024xf32, #tpu.memory_space<vmem>>
        %dma_wait3A_336 = tpu.memref_squeeze %dma_wait3A_335 : memref<1x16x1024xf32, #tpu.memory_space<vmem>> -> memref<16x1024xf32, #tpu.memory_space<vmem>>
        %dma_wait3A_337 = arith.constant 0 : i32
        %dma_wait3A_338 = tpu.memref_slice %dma_wait3A_336[%dma_wait3A_332, %dma_wait3A_337] : memref<16x1024xf32, #tpu.memory_space<vmem>> -> memref<1x1024xf32, #tpu.memory_space<vmem>>
        %dma_wait3A_339 = tpu.memref_squeeze %dma_wait3A_338 : memref<1x1024xf32, #tpu.memory_space<vmem>> -> memref<1024xf32, #tpu.memory_space<vmem>>
        %dma_wait3A_340 = arith.constant 0 : i32
        %dma_wait3A_341 = tpu.memref_slice %arg11[%dma_wait3A_331, %dma_wait3A_340] : memref<64x1024xf32, #tpu.memory_space<vmem_shared>> -> memref<1x1024xf32, #tpu.memory_space<vmem_shared>>
        %dma_wait3A_342 = tpu.memref_squeeze %dma_wait3A_341 : memref<1x1024xf32, #tpu.memory_space<vmem_shared>> -> memref<1024xf32, #tpu.memory_space<vmem_shared>>
        %dma_wait3A_343 = arith.constant 0 : i32
        %dma_wait3A_344 = arith.constant 0 : i32
        %dma_wait3A_345 = tpu.memref_slice %arg12[%rem3A_69, %dma_wait3A_343, %dma_wait3A_344] : memref<4x16x1024xf32, #tpu.memory_space<vmem>> -> memref<1x16x1024xf32, #tpu.memory_space<vmem>>
        %dma_wait3A_346 = tpu.memref_squeeze %dma_wait3A_345 : memref<1x16x1024xf32, #tpu.memory_space<vmem>> -> memref<16x1024xf32, #tpu.memory_space<vmem>>
        %dma_wait3A_347 = arith.constant 0 : i32
        %dma_wait3A_348 = tpu.memref_slice %dma_wait3A_346[%dma_wait3A_332, %dma_wait3A_347] : memref<16x1024xf32, #tpu.memory_space<vmem>> -> memref<1x1024xf32, #tpu.memory_space<vmem>>
        %dma_wait3A_349 = tpu.memref_squeeze %dma_wait3A_348 : memref<1x1024xf32, #tpu.memory_space<vmem>> -> memref<1024xf32, #tpu.memory_space<vmem>>
        %dma_wait3A_350 = arith.constant 0 : i32
        %dma_wait3A_351 = tpu.memref_slice %arg11[%dma_wait3A_331, %dma_wait3A_350] : memref<64x1024xf32, #tpu.memory_space<vmem_shared>> -> memref<1x1024xf32, #tpu.memory_space<vmem_shared>>
        %dma_wait3A_352 = tpu.memref_squeeze %dma_wait3A_351 : memref<1x1024xf32, #tpu.memory_space<vmem_shared>> -> memref<1024xf32, #tpu.memory_space<vmem_shared>>
        tpu.wait_dma2 semaphore(%arg15 : memref<!tpu.dma_semaphore, #tpu.memory_space<semaphore_mem>>) src(%dma_wait3A_352 : memref<1024xf32, #tpu.memory_space<vmem_shared>>) dst(%dma_wait3A_349 : memref<1024xf32, #tpu.memory_space<vmem>>)
      } else {
      }
      %slice3A_302 = vector.extract_strided_slice %get3A_92 {offsets = [14], sizes = [1], strides = [1]} : vector<16xi32> to vector<1xi32>
      %squeeze3A_303 = vector.extract %slice3A_302[0] : i32 from vector<1xi32>
      %eq3A_304 = arith.constant 0 : i32
      %eq3A_305 = arith.cmpi eq, %squeeze3A_303, %eq3A_304 : i32
      %convert_element_type3A_306 = arith.extui %eq3A_305 : i1 to i32
      %cond3A_307 = arith.constant 0 : i32
      %cond3A_308 = arith.cmpi ne, %convert_element_type3A_306, %cond3A_307 : i32
      scf.if %cond3A_308 {
        %dma_wait3A_331 = arith.constant 0 : i32
        %dma_wait3A_332 = arith.constant 14 : i32
        %dma_wait3A_333 = arith.constant 0 : i32
        %dma_wait3A_334 = arith.constant 0 : i32
        %dma_wait3A_335 = tpu.memref_slice %arg12[%rem3A_69, %dma_wait3A_333, %dma_wait3A_334] : memref<4x16x1024xf32, #tpu.memory_space<vmem>> -> memref<1x16x1024xf32, #tpu.memory_space<vmem>>
        %dma_wait3A_336 = tpu.memref_squeeze %dma_wait3A_335 : memref<1x16x1024xf32, #tpu.memory_space<vmem>> -> memref<16x1024xf32, #tpu.memory_space<vmem>>
        %dma_wait3A_337 = arith.constant 0 : i32
        %dma_wait3A_338 = tpu.memref_slice %dma_wait3A_336[%dma_wait3A_332, %dma_wait3A_337] : memref<16x1024xf32, #tpu.memory_space<vmem>> -> memref<1x1024xf32, #tpu.memory_space<vmem>>
        %dma_wait3A_339 = tpu.memref_squeeze %dma_wait3A_338 : memref<1x1024xf32, #tpu.memory_space<vmem>> -> memref<1024xf32, #tpu.memory_space<vmem>>
        %dma_wait3A_340 = arith.constant 0 : i32
        %dma_wait3A_341 = tpu.memref_slice %arg11[%dma_wait3A_331, %dma_wait3A_340] : memref<64x1024xf32, #tpu.memory_space<vmem_shared>> -> memref<1x1024xf32, #tpu.memory_space<vmem_shared>>
        %dma_wait3A_342 = tpu.memref_squeeze %dma_wait3A_341 : memref<1x1024xf32, #tpu.memory_space<vmem_shared>> -> memref<1024xf32, #tpu.memory_space<vmem_shared>>
        %dma_wait3A_343 = arith.constant 0 : i32
        %dma_wait3A_344 = arith.constant 0 : i32
        %dma_wait3A_345 = tpu.memref_slice %arg12[%rem3A_69, %dma_wait3A_343, %dma_wait3A_344] : memref<4x16x1024xf32, #tpu.memory_space<vmem>> -> memref<1x16x1024xf32, #tpu.memory_space<vmem>>
        %dma_wait3A_346 = tpu.memref_squeeze %dma_wait3A_345 : memref<1x16x1024xf32, #tpu.memory_space<vmem>> -> memref<16x1024xf32, #tpu.memory_space<vmem>>
        %dma_wait3A_347 = arith.constant 0 : i32
        %dma_wait3A_348 = tpu.memref_slice %dma_wait3A_346[%dma_wait3A_332, %dma_wait3A_347] : memref<16x1024xf32, #tpu.memory_space<vmem>> -> memref<1x1024xf32, #tpu.memory_space<vmem>>
        %dma_wait3A_349 = tpu.memref_squeeze %dma_wait3A_348 : memref<1x1024xf32, #tpu.memory_space<vmem>> -> memref<1024xf32, #tpu.memory_space<vmem>>
        %dma_wait3A_350 = arith.constant 0 : i32
        %dma_wait3A_351 = tpu.memref_slice %arg11[%dma_wait3A_331, %dma_wait3A_350] : memref<64x1024xf32, #tpu.memory_space<vmem_shared>> -> memref<1x1024xf32, #tpu.memory_space<vmem_shared>>
        %dma_wait3A_352 = tpu.memref_squeeze %dma_wait3A_351 : memref<1x1024xf32, #tpu.memory_space<vmem_shared>> -> memref<1024xf32, #tpu.memory_space<vmem_shared>>
        tpu.wait_dma2 semaphore(%arg15 : memref<!tpu.dma_semaphore, #tpu.memory_space<semaphore_mem>>) src(%dma_wait3A_352 : memref<1024xf32, #tpu.memory_space<vmem_shared>>) dst(%dma_wait3A_349 : memref<1024xf32, #tpu.memory_space<vmem>>)
      } else {
      }
      %slice3A_309 = vector.extract_strided_slice %get3A_92 {offsets = [15], sizes = [1], strides = [1]} : vector<16xi32> to vector<1xi32>
      %squeeze3A_310 = vector.extract %slice3A_309[0] : i32 from vector<1xi32>
      %eq3A_311 = arith.constant 0 : i32
      %eq3A_312 = arith.cmpi eq, %squeeze3A_310, %eq3A_311 : i32
      %convert_element_type3A_313 = arith.extui %eq3A_312 : i1 to i32
      %cond3A_314 = arith.constant 0 : i32
      %cond3A_315 = arith.cmpi ne, %convert_element_type3A_313, %cond3A_314 : i32
      scf.if %cond3A_315 {
        %dma_wait3A_331 = arith.constant 0 : i32
        %dma_wait3A_332 = arith.constant 15 : i32
        %dma_wait3A_333 = arith.constant 0 : i32
        %dma_wait3A_334 = arith.constant 0 : i32
        %dma_wait3A_335 = tpu.memref_slice %arg12[%rem3A_69, %dma_wait3A_333, %dma_wait3A_334] : memref<4x16x1024xf32, #tpu.memory_space<vmem>> -> memref<1x16x1024xf32, #tpu.memory_space<vmem>>
        %dma_wait3A_336 = tpu.memref_squeeze %dma_wait3A_335 : memref<1x16x1024xf32, #tpu.memory_space<vmem>> -> memref<16x1024xf32, #tpu.memory_space<vmem>>
        %dma_wait3A_337 = arith.constant 0 : i32
        %dma_wait3A_338 = tpu.memref_slice %dma_wait3A_336[%dma_wait3A_332, %dma_wait3A_337] : memref<16x1024xf32, #tpu.memory_space<vmem>> -> memref<1x1024xf32, #tpu.memory_space<vmem>>
        %dma_wait3A_339 = tpu.memref_squeeze %dma_wait3A_338 : memref<1x1024xf32, #tpu.memory_space<vmem>> -> memref<1024xf32, #tpu.memory_space<vmem>>
        %dma_wait3A_340 = arith.constant 0 : i32
        %dma_wait3A_341 = tpu.memref_slice %arg11[%dma_wait3A_331, %dma_wait3A_340] : memref<64x1024xf32, #tpu.memory_space<vmem_shared>> -> memref<1x1024xf32, #tpu.memory_space<vmem_shared>>
        %dma_wait3A_342 = tpu.memref_squeeze %dma_wait3A_341 : memref<1x1024xf32, #tpu.memory_space<vmem_shared>> -> memref<1024xf32, #tpu.memory_space<vmem_shared>>
        %dma_wait3A_343 = arith.constant 0 : i32
        %dma_wait3A_344 = arith.constant 0 : i32
        %dma_wait3A_345 = tpu.memref_slice %arg12[%rem3A_69, %dma_wait3A_343, %dma_wait3A_344] : memref<4x16x1024xf32, #tpu.memory_space<vmem>> -> memref<1x16x1024xf32, #tpu.memory_space<vmem>>
        %dma_wait3A_346 = tpu.memref_squeeze %dma_wait3A_345 : memref<1x16x1024xf32, #tpu.memory_space<vmem>> -> memref<16x1024xf32, #tpu.memory_space<vmem>>
        %dma_wait3A_347 = arith.constant 0 : i32
        %dma_wait3A_348 = tpu.memref_slice %dma_wait3A_346[%dma_wait3A_332, %dma_wait3A_347] : memref<16x1024xf32, #tpu.memory_space<vmem>> -> memref<1x1024xf32, #tpu.memory_space<vmem>>
        %dma_wait3A_349 = tpu.memref_squeeze %dma_wait3A_348 : memref<1x1024xf32, #tpu.memory_space<vmem>> -> memref<1024xf32, #tpu.memory_space<vmem>>
        %dma_wait3A_350 = arith.constant 0 : i32
        %dma_wait3A_351 = tpu.memref_slice %arg11[%dma_wait3A_331, %dma_wait3A_350] : memref<64x1024xf32, #tpu.memory_space<vmem_shared>> -> memref<1x1024xf32, #tpu.memory_space<vmem_shared>>
        %dma_wait3A_352 = tpu.memref_squeeze %dma_wait3A_351 : memref<1x1024xf32, #tpu.memory_space<vmem_shared>> -> memref<1024xf32, #tpu.memory_space<vmem_shared>>
        tpu.wait_dma2 semaphore(%arg15 : memref<!tpu.dma_semaphore, #tpu.memory_space<semaphore_mem>>) src(%dma_wait3A_352 : memref<1024xf32, #tpu.memory_space<vmem_shared>>) dst(%dma_wait3A_349 : memref<1024xf32, #tpu.memory_space<vmem>>)
      } else {
      }
      %add3A_316 = arith.addi %mul3A_2, %mul3A_67 : i32
      %dma_start3A_317 = arith.constant 0 : i32
      %dma_start3A_318 = arith.constant 0 : i32
      %dma_start3A_319 = tpu.memref_slice %arg12[%rem3A_69, %dma_start3A_317, %dma_start3A_318] : memref<4x16x1024xf32, #tpu.memory_space<vmem>> -> memref<1x16x1024xf32, #tpu.memory_space<vmem>>
      %dma_start3A_320 = tpu.memref_squeeze %dma_start3A_319 : memref<1x16x1024xf32, #tpu.memory_space<vmem>> -> memref<16x1024xf32, #tpu.memory_space<vmem>>
      %dma_start3A_321 = arith.constant 0 : i32
      %dma_start3A_322 = tpu.memref_slice %arg7[%add3A_316, %dma_start3A_321] : memref<16384x1024xf32, #tpu.memory_space<hbm>> -> memref<16x1024xf32, #tpu.memory_space<hbm>>
      %dma_start3A_323 = tpu.memref_slice %arg14[%rem3A_69] : memref<4x!tpu.dma_semaphore, #tpu.memory_space<semaphore_mem>> -> memref<1x!tpu.dma_semaphore, #tpu.memory_space<semaphore_mem>>
      %dma_start3A_324 = tpu.memref_squeeze %dma_start3A_323 : memref<1x!tpu.dma_semaphore, #tpu.memory_space<semaphore_mem>> -> memref<!tpu.dma_semaphore, #tpu.memory_space<semaphore_mem>>
      %dma_start3A_325 = arith.constant 0 : i32
      %dma_start3A_326 = tpu.memref_slice %arg7[%add3A_316, %dma_start3A_325] : memref<16384x1024xf32, #tpu.memory_space<hbm>> -> memref<16x1024xf32, #tpu.memory_space<hbm>>
      %dma_start3A_327 = arith.constant 0 : i32
      %dma_start3A_328 = arith.constant 0 : i32
      %dma_start3A_329 = tpu.memref_slice %arg12[%rem3A_69, %dma_start3A_327, %dma_start3A_328] : memref<4x16x1024xf32, #tpu.memory_space<vmem>> -> memref<1x16x1024xf32, #tpu.memory_space<vmem>>
      %dma_start3A_330 = tpu.memref_squeeze %dma_start3A_329 : memref<1x16x1024xf32, #tpu.memory_space<vmem>> -> memref<16x1024xf32, #tpu.memory_space<vmem>>
      tpu.enqueue_dma source(%dma_start3A_330 : memref<16x1024xf32, #tpu.memory_space<vmem>>) target(%dma_start3A_326 : memref<16x1024xf32, #tpu.memory_space<hbm>>) target_semaphore(%dma_start3A_324 : memref<!tpu.dma_semaphore, #tpu.memory_space<semaphore_mem>>)
    }
    %scan3A_32 = arith.constant 32 : i32
    %rem3A = arith.constant 30 : i32
    %rem3A_33 = arith.constant 4 : i32
    %rem3A_34 = arith.remsi %rem3A, %rem3A_33 : i32
    %rem3A_35 = arith.constant 31 : i32
    %rem3A_36 = arith.constant 4 : i32
    %rem3A_37 = arith.remsi %rem3A_35, %rem3A_36 : i32
    %dma_wait3A = arith.constant 0 : i32
    %dma_wait3A_38 = arith.constant 0 : i32
    %dma_wait3A_39 = tpu.memref_slice %arg12[%rem3A_34, %dma_wait3A, %dma_wait3A_38] : memref<4x16x1024xf32, #tpu.memory_space<vmem>> -> memref<1x16x1024xf32, #tpu.memory_space<vmem>>
    %dma_wait3A_40 = tpu.memref_squeeze %dma_wait3A_39 : memref<1x16x1024xf32, #tpu.memory_space<vmem>> -> memref<16x1024xf32, #tpu.memory_space<vmem>>
    %dma_wait3A_41 = arith.constant 0 : i32
    %dma_wait3A_42 = tpu.memref_slice %arg7[%mul3A_2, %dma_wait3A_41] : memref<16384x1024xf32, #tpu.memory_space<hbm>> -> memref<16x1024xf32, #tpu.memory_space<hbm>>
    %dma_wait3A_43 = tpu.memref_slice %arg14[%rem3A_34] : memref<4x!tpu.dma_semaphore, #tpu.memory_space<semaphore_mem>> -> memref<1x!tpu.dma_semaphore, #tpu.memory_space<semaphore_mem>>
    %dma_wait3A_44 = tpu.memref_squeeze %dma_wait3A_43 : memref<1x!tpu.dma_semaphore, #tpu.memory_space<semaphore_mem>> -> memref<!tpu.dma_semaphore, #tpu.memory_space<semaphore_mem>>
    %dma_wait3A_45 = arith.constant 0 : i32
    %dma_wait3A_46 = tpu.memref_slice %arg7[%mul3A_2, %dma_wait3A_45] : memref<16384x1024xf32, #tpu.memory_space<hbm>> -> memref<16x1024xf32, #tpu.memory_space<hbm>>
    %dma_wait3A_47 = arith.constant 0 : i32
    %dma_wait3A_48 = arith.constant 0 : i32
    %dma_wait3A_49 = tpu.memref_slice %arg12[%rem3A_34, %dma_wait3A_47, %dma_wait3A_48] : memref<4x16x1024xf32, #tpu.memory_space<vmem>> -> memref<1x16x1024xf32, #tpu.memory_space<vmem>>
    %dma_wait3A_50 = tpu.memref_squeeze %dma_wait3A_49 : memref<1x16x1024xf32, #tpu.memory_space<vmem>> -> memref<16x1024xf32, #tpu.memory_space<vmem>>
    tpu.wait_dma2 semaphore(%dma_wait3A_44 : memref<!tpu.dma_semaphore, #tpu.memory_space<semaphore_mem>>) src(%dma_wait3A_50 : memref<16x1024xf32, #tpu.memory_space<vmem>>) dst(%dma_wait3A_46 : memref<16x1024xf32, #tpu.memory_space<hbm>>)
    %dma_wait3A_51 = arith.constant 0 : i32
    %dma_wait3A_52 = arith.constant 0 : i32
    %dma_wait3A_53 = tpu.memref_slice %arg12[%rem3A_37, %dma_wait3A_51, %dma_wait3A_52] : memref<4x16x1024xf32, #tpu.memory_space<vmem>> -> memref<1x16x1024xf32, #tpu.memory_space<vmem>>
    %dma_wait3A_54 = tpu.memref_squeeze %dma_wait3A_53 : memref<1x16x1024xf32, #tpu.memory_space<vmem>> -> memref<16x1024xf32, #tpu.memory_space<vmem>>
    %dma_wait3A_55 = arith.constant 0 : i32
    %dma_wait3A_56 = tpu.memref_slice %arg7[%mul3A_2, %dma_wait3A_55] : memref<16384x1024xf32, #tpu.memory_space<hbm>> -> memref<16x1024xf32, #tpu.memory_space<hbm>>
    %dma_wait3A_57 = tpu.memref_slice %arg14[%rem3A_37] : memref<4x!tpu.dma_semaphore, #tpu.memory_space<semaphore_mem>> -> memref<1x!tpu.dma_semaphore, #tpu.memory_space<semaphore_mem>>
    %dma_wait3A_58 = tpu.memref_squeeze %dma_wait3A_57 : memref<1x!tpu.dma_semaphore, #tpu.memory_space<semaphore_mem>> -> memref<!tpu.dma_semaphore, #tpu.memory_space<semaphore_mem>>
    %dma_wait3A_59 = arith.constant 0 : i32
    %dma_wait3A_60 = tpu.memref_slice %arg7[%mul3A_2, %dma_wait3A_59] : memref<16384x1024xf32, #tpu.memory_space<hbm>> -> memref<16x1024xf32, #tpu.memory_space<hbm>>
    %dma_wait3A_61 = arith.constant 0 : i32
    %dma_wait3A_62 = arith.constant 0 : i32
    %dma_wait3A_63 = tpu.memref_slice %arg12[%rem3A_37, %dma_wait3A_61, %dma_wait3A_62] : memref<4x16x1024xf32, #tpu.memory_space<vmem>> -> memref<1x16x1024xf32, #tpu.memory_space<vmem>>
    %dma_wait3A_64 = tpu.memref_squeeze %dma_wait3A_63 : memref<1x16x1024xf32, #tpu.memory_space<vmem>> -> memref<16x1024xf32, #tpu.memory_space<vmem>>
    tpu.wait_dma2 semaphore(%dma_wait3A_58 : memref<!tpu.dma_semaphore, #tpu.memory_space<semaphore_mem>>) src(%dma_wait3A_64 : memref<16x1024xf32, #tpu.memory_space<vmem>>) dst(%dma_wait3A_60 : memref<16x1024xf32, #tpu.memory_space<hbm>>)
    return
  }
}

</mosaic_0001>

<sc_bundles>
// kernel: kernel.3.cloned.1.call-start
scs
__scs_entry_jumppad:
0x0: {  	(pc) =	sbr.rel $0x88, $3  }
0x1: {  	(tag) =	ssettag $0x0;
	lr =	simm.s32 $0x1  }
0x2: {  	[smem:$0x3F9C] =	sst lr;
	_ =	strace $0xD0000000  }
0x3: {  	_ = 	snop  }
0x4: {  	_ = 	snop  }
0x5: {  	_ = 	snop  }
0x6: {  	_ = 	snop  }
0x7: {  	_ = 	snop  }
__scs_overlays_trampoline_lowered:
0x8: {  	[smem:$0x3FAB] =	sst s0  }
0x9: {  	[smem:$0x3FAC] =	sst s1  }
0xa: {  	[smem:$0x3FAD] =	sst s2  }
0xb: {  	[smem:$0x3FAE] =	sst s3  }
0xc: {  	[smem:$0x3FAF] =	sst s4  }
0xd: {  	[smem:$0x3FB0] =	sst s5  }
0xe: {  	[smem:$0x3FB1] =	sst s6  }
0xf: {  	[smem:$0x3FB2] =	sst s7  }
0x10: {  	[smem:$0x3FB3] =	sst s8  }
0x11: {  	[smem:$0x3FB4] =	sst s9;
	s0 =	simm.s32 @!p0 $0x0  }
0x12: {  	s1 =	sld [smem:$0x3F9A];
	s0 =	simm.s32 @p0 $0x1  }
0x13: {  	[smem:$0x3FB5] =	sst s0;
	s0 =	simm.s32 @!p1 $0x0  }
0x14: {  	s2 =	sld [smem:$0x3F99];
	s0 =	simm.s32 @p1 $0x1  }
0x15: {  	[smem:$0x3FB6] =	sst s0;
	s0 =	simm.s32 @!p2 $0x0  }
0x16: {  	s3 =	sld [smem:$0x3FDB];
	s0 =	simm.s32 @p2 $0x1  }
0x17: {  	s4 =	simm.s32 $0x1BF5;
	[smem:$0x3FB8] =	sst s0  }
0x18: {  	s0 =	sld [smem:$0x3F9B];
	_ =	swait.ge [sflag:s4], $0x0  }
0x19: {  	s7 =	sld [smem:$0x3F9C]  }
0x1a: {  	s8 =	sadd.s32 $0xFFFFE003, lr  }
0x1b: {  	s9 =	sadd.s32 $0xFFFFFEF7, lr;
	s5 =	simm.s32 $0xFFFFFFFF;
	p2 =	slt.u32 s8, $0xFFFFF086  }
0x1c: {  	p1 =	slt.u32 s9, $0xF7A;
	s5 =	simm.s32 @!p2 $0x0  }
0x1d: {  	s5 =	simm.s32 @p1 $0x1;
	p0 =	seq.s32 s7, s2  }
0x1e: {  	s7 =	smul.u32 @!p0 $0xF7A, s2;
	p2 =	seq.s32 @!p0 s5, $0x0  }
0x1f: {  	s9 =	smul.u32 $0xF7A, s1;
	s8 =	simm.s32 @!p0 $0x1BF5;
	p2 =	por !p2, p0  }
0x20: {  	[sflag:s8] =	ssyncset.s32 @!p0 $0xFFFFF086;
	s6 =	sadd.s32 @!p0 s3, s7;
	s7 =	simm.s32 @!p0 $0x108  }
0x21: {  	s3 =	sadd.s32 s3, s9;
	s6 =	sadd.s32 @!p0 $0x88, s6;
	s7 =	simm.s32 @p2 $0x1082  }
0x22: {  	[simem:s7], [sflag:s8] =	dma.local @!p0 [hbm:s6], $0xF7A  }
0x23: {  	s9 =	sor.u32 $0xD0000000, s2;
	s6 =	simm.s32 $0x108;
	_ =	swait.ge @!p0 [sflag:s8], $0x0  }
0x24: {  	s3 =	sadd.s32 $0x88, s3;
	s6 =	simm.s32 @!p1 $0x1082;
	[sflag:s4] =	ssyncset.s32 $0xFFFFF086  }
0x25: {  	[simem:s6], [sflag:s4] =	dma.local [hbm:s3], $0xF7A  }
0x26: {  	[smem:$0x3F9C] =	sst s1;
	(tag) =	ssettag s2;
	_ =	strace s9  }
0x27: {  	s1 =	sld [smem:$0x3FAC]  }
0x28: {  	s2 =	sld [smem:$0x3FAD]  }
0x29: {  	s4 =	sld [smem:$0x3FAF]  }
0x2a: {  	p0 =	seq.s32 s5, $0x0;
	s5 =	sld [smem:$0x3FB0]  }
0x2b: {  	s6 =	sld [smem:$0x3FB1]  }
0x2c: {  	s7 =	sld [smem:$0x3FB2]  }
0x2d: {  	s3 =	simm.s32 $0x108;
	s8 =	sld [smem:$0x3FB3]  }
0x2e: {  	s3 =	simm.s32 @!p0 $0x1082;
	s9 =	sld [smem:$0x3FB4]  }
0x2f: {  	lr =	sadd.s32 s0, s3;
	s0 =	sld [smem:$0x3FAB]  }
0x30: {  	s3 =	sld [smem:$0x3FAE]  }
0x31: {  	[smem:$0x3FB7] =	sst s10  }
0x32: {  	s10 =	sld [smem:$0x3FB5];
	_ =	sdelay $0x3  }
0x33: {  	p0 =	seq.s32 s10, $0x1;
	s10 =	sld [smem:$0x3FB7];
	_ =	sdelay $0x3  }
0x34: {  	[smem:$0x3FB7] =	sst s10  }
0x35: {  	s10 =	sld [smem:$0x3FB6];
	_ =	sdelay $0x3  }
0x36: {  	p1 =	seq.s32 s10, $0x1;
	s10 =	sld [smem:$0x3FB7];
	_ =	sdelay $0x3  }
0x37: {  	[smem:$0x3FB7] =	sst s10  }
0x38: {  	s10 =	sld [smem:$0x3FB8]  }
0x39: {  	_ = 	snop;
	(pc) =	sbr.ind lr, $3  }
0x3a: {  	_ = 	snop  }
0x3b: {  	_ = 	snop  }
0x3c: {  	p2 =	seq.s32 s10, $0x1;
	s10 =	sld [smem:$0x3FB7]  }
0x3d: {  	_ =	shalt  }
0x3e: {  	_ =	shalt  }
0x3f: {  	_ =	shalt  }
0x40: {  	_ =	shalt  }
0x41: {  	_ =	shalt  }
0x42: {  	_ =	shalt  }
0x43: {  	_ =	shalt  }
0x44: {  	_ =	shalt  }
0x45: {  	_ =	shalt  }
0x46: {  	_ =	shalt  }
0x47: {  	_ =	shalt  }
0x48: {  	_ =	shalt  }
0x49: {  	_ =	shalt  }
0x4a: {  	_ =	shalt  }
0x4b: {  	_ =	shalt  }
0x4c: {  	_ =	shalt  }
0x4d: {  	_ =	shalt  }
0x4e: {  	_ =	shalt  }
0x4f: {  	_ =	shalt  }
0x50: {  	_ =	shalt  }
0x51: {  	_ =	shalt  }
0x52: {  	_ =	shalt  }
0x53: {  	_ =	shalt  }
0x54: {  	_ =	shalt  }
0x55: {  	_ =	shalt  }
0x56: {  	_ =	shalt  }
0x57: {  	_ =	shalt  }
0x58: {  	_ =	shalt  }
0x59: {  	_ =	shalt  }
0x5a: {  	_ =	shalt  }
0x5b: {  	_ =	shalt  }
0x5c: {  	_ =	shalt  }
0x5d: {  	_ =	shalt  }
0x5e: {  	_ =	shalt  }
0x5f: {  	_ =	shalt  }
0x60: {  	_ =	shalt  }
0x61: {  	_ =	shalt  }
0x62: {  	_ =	shalt  }
0x63: {  	_ =	shalt  }
0x64: {  	_ =	shalt  }
0x65: {  	_ =	shalt  }
0x66: {  	_ =	shalt  }
0x67: {  	_ =	shalt  }
0x68: {  	_ =	shalt  }
0x69: {  	_ =	shalt  }
0x6a: {  	_ =	shalt  }
0x6b: {  	_ =	shalt  }
0x6c: {  	_ =	shalt  }
0x6d: {  	_ =	shalt  }
0x6e: {  	_ =	shalt  }
0x6f: {  	_ =	shalt  }
0x70: {  	_ =	shalt  }
0x71: {  	_ =	shalt  }
0x72: {  	_ =	shalt  }
0x73: {  	_ =	shalt  }
0x74: {  	_ =	shalt  }
0x75: {  	_ =	shalt  }
0x76: {  	_ =	shalt  }
0x77: {  	_ =	shalt  }
0x78: {  	_ =	shalt  }
0x79: {  	_ =	shalt  }
0x7a: {  	_ =	shalt  }
0x7b: {  	_ =	shalt  }
0x7c: {  	_ =	shalt  }
0x7d: {  	_ =	shalt  }
0x7e: {  	_ =	shalt  }
0x7f: {  	_ =	shalt  }
0x80: {  	_ =	shalt  }
0x81: {  	_ =	shalt  }
0x82: {  	_ =	shalt  }
0x83: {  	_ =	shalt  }
0x84: {  	_ =	shalt  }
0x85: {  	_ =	shalt  }
0x86: {  	_ =	shalt  }
0x87: {  	_ =	shalt  }
.Lfunc_end0:
.L_simem_size_0:
called_computation_lowered:
.L_overlay_start_0:
0x88: {  	s2 =	sld [smem:$0x3FD9]  }
0x89: {  	s3 =	sld [smem:$0x3FFE];
	_ =	sdelay $0x1  }
0x8a: {  	s1 =	srdreg.scid  }
0x8b: {  	s0 =	sand.u32 $0x1, s1  }
0x8c: {  	s17 =	sshll.u32 s0, $0xA;
	s2 =	sadd.s32 s3, s2  }
0x8d: {  	s2 =	sadd.s32 s2, s17  }
0x8e: {  	[smem:$0x3FC3] =	sst s2  }
0x8f: {  	_ = 	snop  }
0x90: {  	s2 =	sld [smem:$0x3FC9]  }
0x91: {  	s18 =	sld [smem:$0x3FC8]  }
0x92: {  	s4 =	sld [smem:$0x3FC6]  }
0x93: {  	s5 =	sld [smem:$0x3FC5]  }
0x94: {  	s6 =	sld [smem:$0x3FD0];
	(tm) =	ssettm $0x1  }
0x95: {  	s7 =	sld [smem:$0x3FFB];
	_ =	sdelay $0x3  }
0x96: {  	_ =	strace s7  }
0x97: {  	s7 =	sld [smem:$0x3FFC];
	_ =	sdelay $0x3  }
0x98: {  	_ =	strace s7  }
0x99: {  	s7 =	sld [smem:$0x3FFD];
	_ =	sdelay $0x3  }
0x9a: {  	_ =	strace s7  }
0x9b: {  	_ =	strace $0x8FFFFFFF  }
0x9c: {  	s19 =	sld [smem:$0x3FDB];
	_ =	sdelay $0x1  }
0x9d: {  	s8 =	simm.s32 $_scs_section_size  }
0x9e: {  	s9 =	simm.s32 $_size__tile_overlayer_lowered;
	s10 =	simm.s32 $_tile_overlayer_lowered  }
0x9f: {  	s22 =	simm.s32 $0x1BFF;
	s21 =	sshll.u32 s10, $0x1;
	s7 =	sadd.s32 s8, s19  }
0xa0: {  	s11 =	simm.s32 $0x0;
	s20 =	sshll.u32 s9, $0x1;
	s9 =	sadd.s32 s21, s7  }
0xa1: {  	[timem:s11], [sflag:s22] =	dma.local [hbm:s9], s20  }
0xa2: {  	_ =	swait.ge [sflag:s22], s20  }
0xa3: {  	s8 =	ssub.s32 $0x0, s20;
	[sflag:s22] =	ssyncset.done $0x0  }
0xa4: {  	[sflag:s22] =	ssyncadd.s32 s8;
	_ =	sdelay $0x1  }
0xa5: {  	s23 =	simm.s32 $0x1B8B  }
0xa6: {  	_ =	swait.ge [sflag:s23], $0x1  }
0xa7: {  	[sflag:s23] =	ssyncset.done $0x0  }
0xa8: {  	s25 =	simm.s32 $0x1B8E;
	s24 =	sld [smem:$0x3FFE];
	[sflag:s23] =	ssyncadd.s32 $0xFFFFFFFF  }
0xa9: {  	s26 =	simm.s32 $execute0_lowered;
	[smem:$0x3FD2] =	sst s25  }
0xaa: {  	s9 =	sshll.u32 s26, $0x1;
	_ =	strace $0x80000046;
	[dreg:$0x1] =	wrdreg $0xFFFFFFFF  }
0xab: {  	s28 =	simm.s32 $_size_execute0_lowered;
	s7 =	sadd.s32 s7, s9;
	[dreg:$0x0] =	wrdreg $0x0  }
0xac: {  	s9 =	sshll.u32 s28, $0x1;
	[dreg:$0x2] =	wrdreg s7  }
0xad: {  	[dreg:$0x3] =	wrdreg s9  }
0xae: {  	[dreg:$0x4] =	wrdreg $0xC0  }
0xaf: {  	_ =	task [dreg:s11], $0x5FFFF  }
0xb0: {  	[dreg:$0x1] =	wrdreg $0xFFFFFFFF  }
0xb1: {  	[dreg:$0x0] =	wrdreg $0x60  }
0xb2: {  	[dreg:$0x2] =	wrdreg s2  }
0xb3: {  	[dreg:$0x3] =	wrdreg s18  }
0xb4: {  	[dreg:$0x4] =	wrdreg s24  }
0xb5: {  	[dreg:$0x5] =	wrdreg s4  }
0xb6: {  	[dreg:$0x6] =	wrdreg s5  }
0xb7: {  	[dreg:$0x7] =	wrdreg s6  }
0xb8: {  	[dreg:$0x8] =	wrdreg $0x6000  }
0xb9: {  	[dreg:$0x9] =	wrdreg $0x9  }
0xba: {  	_ =	task.clear_ibuf [dreg:s11], $0xAFFFF;
	_ =	strace $0x90000046  }
0xbb: {  	s29 =	simm.s32 $0x9;
	_ =	strace $0x80000048  }
0xbc: {  	_ =	swait.ge [sflag:s29], $0x1  }
0xbd: {  	[sflag:s29] =	ssyncadd.s32 $0xFFFFFFFF  }
0xbe: {  	_ =	strace $0x90000048  }
0xbf: {  	_ =	sfence  }
0xc0: {  	s30 =	sld [smem:$0x0];
	_ =	sdelay $0x2  }
0xc1: {  	s31 =	sshll.u32 s1, $0xD;
	s1 =	sshrl.u32 s1, $0x2  }
0xc2: {  	s3 =	sand.u32 $0x4000, s31;
	s1 =	sadd.s32 s1, s30  }
0xc3: {  	s0 =	sor.u32 s3, s0;
	s1 =	sshll.u32 s1, $0x11  }
0xc4: {  	s0 =	sor.u32 s1, s0  }
0xc5: {  	s0 =	sadd.s32 $0x8F2B, s0  }
0xc6: {  	[sflag:s0] =	ssyncadd.remote.s32 $0x1  }
0xc7: {  	_ =	sfence.sel $0xFFFF  }
0xc8: {  	[dreg:$0x0] =	wrdreg $0xFFFFFFFF;
	(pc) =	sbr.abs _section_cstart, $3  }
0xc9: {  	[dreg:$0x1] =	wrdreg $0xFFFFFFFF  }
0xca: {  	_ =	task.clear_ibuf [dreg:s11], $0x2FFFF;
	_ =	strace $0x9FFFFFFF  }
0xcb: {  	(tm) =	ssettm $0x7FFFFFFF  }
tec
execute0_lowered:
.L_overlay_start_1:
0x0: {  	(tag) =	ssettag $0x1  }
0x1: {  	s0 =	rddreg [dreg:$0x0]  }
0x2: {  	s2 =	rddreg [dreg:$0x1]  }
0x3: {  	s3 =	rddreg [dreg:$0x2]  }
0x4: {  	s1 =	rddreg [dreg:$0x3]  }
0x5: {  	s4 =	srdreg.scid;
	s13 =	rddreg [dreg:$0x5]  }
0x6: {  	s15 =	stileid.u32;
	s5 =	simm.s32 $0x0;
	s25 =	simm.s32 $0x9  }
0x7: {  	s17 =	simm.s32 $0x7;
	s18 =	simm.s32 $0x8;
	s19 =	simm.s32 $0x0  }
0x8: {  	s14 =	sand.u32 $0x1, s4;
	s4 =	rddreg [dreg:$0x6];
	s6 =	sshll.u32 s15, $0xA  }
0x9: {  	[smem:$0x7FF] =	sst s5;
	s9 =	sadd.s32 $0x100, s1;
	s10 =	sadd.s32 $0x200, s1  }
0xa: {  	s11 =	sadd.s32 $0x300, s1;
	s29 =	sshll.u32 s15, $0x11;
	s31 =	sshll.u32 s15, $0x6  }
0xb: {  	s7 =	sshll.u32 s14, $0x9;
	s28 =	ssub.s32 $0x2, s14;
	_ =	strace $0x80000047  }
0xc: {  	s30 =	sshll.u32 s14, $0x10;
	s14 =	simm.s32 $0xA;
	s6 =	sor.u32 s7, s6  }
0xd: {  	s15 =	sor.u32 $0x1C09, s31;
	s8 =	sshrl.u32 s28, $0x1;
	s7 =	sshrl.u32 s6, $0x3  }
0xe: {  	s16 =	sshrl.u32 s4, $0x3;
	s12 =	ssub.s32 s28, s8;
	s3 =	sadd.s32 s7, s3  }
0xf: {  	v2 =	vlaneseq.u32;
	s6 =	sadd.s32 s0, s7;
	s7 =	sadd.s32 s2, s7;
	s12 =	smax.u32 s12, $0x1  }
0x10: {  	vm0 =	vmmov $0xffff;
	v1 =	vshrl.u32 v2, $0x3;
	s0 =	sadd.s32 s29, s13;
	s2 =	simm.s32 $0x8E00;
	s8 =	sadd.s32 $0x400, s3  }
0x11: {  	v0 =	vand.u32 $0x7, v2;
	v2 =	vor.u32 $0x8, v2;
	v1 =	vmul.u32 $0x8, v1;
	s23 =	sadd.s32 s30, s0;
	s3 =	simm.s32 $0x7E00;
	s0 =	simm.s32 $0x8600  }
.LBB2_1:
0x12: {  	[tilespmem:s5], [sflag:$0xA] =	stream.linear.gather [hbm4b:s6+s5], $0x200, $0x38;
	[tilespmem:$0x11600] =	vst v63  }
0x13: {  	_ =	swait.ge [sflag:s14], $0x200  }
0x14: {  	[sflag:s14] =	ssyncset.done $0x0  }
0x15: {  	s20 =	simm.s32 $0x200;
	[sflag:s14] =	ssyncadd.s32 $0xFFFFFE00  }
0x16: {  	[tilespmem:s20], [sflag:$0xA] =	stream.linear.gather [hbm4b:s7+s5], $0x200, $0x38;
	[tilespmem:$0x11600] =	vst v63  }
0x17: {  	_ =	swait.ge [sflag:s14], $0x200  }
0x18: {  	[sflag:s14] =	ssyncset.done $0x0  }
0x19: {  	s21 =	simm.s32 $0x400;
	[sflag:s14] =	ssyncadd.s32 $0xFFFFFE00  }
0x1a: {  	[tilespmem:s21], [sflag:$0xA] =	stream.linear.gather [hbm4b:s8+s5], $0x200, $0x38;
	[tilespmem:$0x11600] =	vst v63  }
0x1b: {  	_ =	swait.ge [sflag:s14], $0x200  }
0x1c: {  	[sflag:s14] =	ssyncset.done $0x0  }
0x1d: {  	[sflag:s14] =	ssyncadd.s32 $0xFFFFFE00  }
0x1e: {  	s13 =	rddreg [dreg:$0x4]  }
0x1f: {  	[spmem:s16], [sflag:s15] =	dma.local [hbm:s13], $0x2000  }
0x20: {  	v3 =	vld [tilespmem:$0x0];
	_ =	sdelay $0x4  }
0x21: {  	v4 =	vshll.u32 v3, $0x3  }
0x22: {  	v3 =	vand.u32 $0x7, v3;
	v4 =	vand.u32 $0xFFFFFFC0, v4  }
0x23: {  	v3 =	vor.u32 v3, v4  }
0x24: {  	v4 =	vperm.xlane v3, v0;
	_ =	sdelay $0x1  }
0x25: {  	v4 =	vadd.s32 v1, v4;
	_ =	sdelay $0x3  }
0x26: {  	s24 =	simm.s32 $0x1600  }
0x27: {  	[tilespmem:s24], [sflag:$0x1] =	stream.indirect_vreg.gather [hbm4b:s1+s5], $0x80, v4, vm0, $0xb8;
	[tilespmem:$0x11600] =	vst v63  }
0x28: {  	s26 =	simm.s32 $0x1E00;
	v3 =	vperm.xlane v3, v2  }
0x29: {  	[tilespmem:s26], [sflag:$0x1] =	stream.indirect_vreg.gather [hbm4b:s9+s5], $0x80, v4, vm0, $0xb8;
	[tilespmem:$0x11600] =	vst v63  }
0x2a: {  	s28 =	simm.s32 $0x2600;
	v3 =	vadd.s32 v1, v3  }
0x2b: {  	[tilespmem:s28], [sflag:$0x1] =	stream.indirect_vreg.gather [hbm4b:s10+s5], $0x80, v4, vm0, $0xb8;
	[tilespmem:$0x11600] =	vst v63  }
0x2c: {  	s29 =	simm.s32 $0x2E00  }
0x2d: {  	[tilespmem:s29], [sflag:$0x1] =	stream.indirect_vreg.gather [hbm4b:s11+s5], $0x80, v4, vm0, $0xb8;
	[tilespmem:$0x11600] =	vst v63  }
0x2e: {  	s30 =	simm.s32 $0x3600  }
0x2f: {  	[tilespmem:s30], [sflag:$0x1] =	stream.indirect_vreg.gather [hbm4b:s1+s5], $0x80, v3, vm0, $0xb8;
	[tilespmem:$0x11600] =	vst v63  }
0x30: {  	s31 =	simm.s32 $0x3E00  }
0x31: {  	[tilespmem:s31], [sflag:$0x1] =	stream.indirect_vreg.gather [hbm4b:s9+s5], $0x80, v3, vm0, $0xb8;
	[tilespmem:$0x11600] =	vst v63  }
0x32: {  	s22 =	simm.s32 $0x4600  }
0x33: {  	[tilespmem:s22], [sflag:$0x1] =	stream.indirect_vreg.gather [hbm4b:s10+s5], $0x80, v3, vm0, $0xb8;
	[tilespmem:$0x11600] =	vst v63  }
0x34: {  	s24 =	simm.s32 $0x4E00  }
0x35: {  	[tilespmem:s24], [sflag:$0x1] =	stream.indirect_vreg.gather [hbm4b:s11+s5], $0x80, v3, vm0, $0xb8;
	[tilespmem:$0x11600] =	vst v63  }
0x36: {  	_ =	swait.ge [sflag:s25], $0x2000  }
0x37: {  	[sflag:s25] =	ssyncset.done $0x0  }
0x38: {  	[sflag:s25] =	ssyncadd.s32 $0xFFFFE000  }
0x39: {  	v3 =	vld [tilespmem:$0x10];
	_ =	sdelay $0x4  }
0x3a: {  	v63 =	vshll.u32 v3, $0x3  }
0x3b: {  	v3 =	vand.u32 $0x7, v3;
	v4 =	vand.u32 $0xFFFFFFC0, v63  }
0x3c: {  	v3 =	vor.u32 v3, v4  }
0x3d: {  	v4 =	vperm.xlane v3, v0;
	_ =	sdelay $0x1  }
0x3e: {  	v4 =	vadd.s32 v1, v4;
	_ =	sdelay $0x3  }
0x3f: {  	s26 =	simm.s32 $0x5600  }
0x40: {  	[tilespmem:s26], [sflag:$0x2] =	stream.indirect_vreg.gather [hbm4b:s1+s5], $0x80, v4, vm0, $0xb8;
	[tilespmem:$0x11600] =	vst v63  }
0x41: {  	s28 =	simm.s32 $0x5E00;
	v3 =	vperm.xlane v3, v2  }
0x42: {  	[tilespmem:s28], [sflag:$0x2] =	stream.indirect_vreg.gather [hbm4b:s9+s5], $0x80, v4, vm0, $0xb8;
	[tilespmem:$0x11600] =	vst v63  }
0x43: {  	s29 =	simm.s32 $0x6600;
	v3 =	vadd.s32 v1, v3  }
0x44: {  	[tilespmem:s29], [sflag:$0x2] =	stream.indirect_vreg.gather [hbm4b:s10+s5], $0x80, v4, vm0, $0xb8;
	[tilespmem:$0x11600] =	vst v63  }
0x45: {  	s30 =	simm.s32 $0x6E00  }
0x46: {  	[tilespmem:s30], [sflag:$0x2] =	stream.indirect_vreg.gather [hbm4b:s11+s5], $0x80, v4, vm0, $0xb8;
	[tilespmem:$0x11600] =	vst v63  }
0x47: {  	s31 =	simm.s32 $0x7600  }
0x48: {  	[tilespmem:s31], [sflag:$0x2] =	stream.indirect_vreg.gather [hbm4b:s1+s5], $0x80, v3, vm0, $0xb8;
	[tilespmem:$0x11600] =	vst v63  }
0x49: {  	_ = 	snop  }
0x4a: {  	[tilespmem:s3], [sflag:$0x2] =	stream.indirect_vreg.gather [hbm4b:s9+s5], $0x80, v3, vm0, $0xb8;
	[tilespmem:$0x11600] =	vst v63  }
0x4b: {  	_ = 	snop  }
0x4c: {  	[tilespmem:s0], [sflag:$0x2] =	stream.indirect_vreg.gather [hbm4b:s10+s5], $0x80, v3, vm0, $0xb8;
	[tilespmem:$0x11600] =	vst v63  }
0x4d: {  	s13 =	smov.u32 s23;
	s22 =	simm.s32 $0x20;
	s24 =	simm.s32 $0x0  }
0x4e: {  	[tilespmem:s2], [sflag:$0x2] =	stream.indirect_vreg.gather [hbm4b:s11+s5], $0x80, v3, vm0, $0xb8;
	[tilespmem:$0x11600] =	vst v63  }
.LBB2_2:
0x4f: {  	s26 =	sadd.s32 $0x2, s24  }
0x50: {  	p0 =	slt.u32 s24, $0x2;
	s26 =	sand.u32 $0x3, s26  }
0x51: {  	s28 =	sadd.s32 @!p0 $0x5, s26  }
0x52: {  	_ =	swait.ge @!p0 [sflag:s28], $0x4000  }
0x53: {  	p1 =	sgt.u32 @!p0 s24, $0x1D;
	[sflag:s28] =	ssyncset.done @!p0 $0x0  }
0x54: {  	p1 =	por p0, !p1;
	[sflag:s28] =	ssyncadd.s32 @!p0 $0xFFFFC000  }
0x55: {  	v3 =	vld @p1 [tilespmem:s22+$0x0];
	_ =	sdelay $0x4  }
0x56: {  	v4 =	vshll.u32 @p1 v3, $0x3  }
0x57: {  	v3 =	vand.u32 @p1 $0x7, v3;
	v4 =	vand.u32 @p1 $0xFFFFFFC0, v4  }
0x58: {  	v3 =	vor.u32 @p1 v3, v4  }
0x59: {  	v4 =	vperm.xlane @p1 v3, v0;
	_ =	sdelay $0x1  }
0x5a: {  	v4 =	vadd.s32 @p1 v1, v4;
	_ =	sdelay $0x2  }
0x5b: {  	s28 =	sshll.u32 @p1 s26, $0xE  }
0x5c: {  	s26 =	sadd.s32 @p1 $0x1, s26;
	s29 =	sor.u32 @p1 $0x1600, s28  }
0x5d: {  	[tilespmem:s29], [sflag:s26] =	stream.indirect_vreg.gather @p1 [hbm4b:s1+s5], $0x80, v4, vm0, $0xb8;
	[tilespmem:$0x11600] =	vst v63  }
0x5e: {  	v3 =	vperm.xlane @p1 v3, v2;
	s29 =	sor.u32 @p1 $0x1E00, s28  }
0x5f: {  	[tilespmem:s29], [sflag:s26] =	stream.indirect_vreg.gather @p1 [hbm4b:s9+s5], $0x80, v4, vm0, $0xb8;
	[tilespmem:$0x11600] =	vst v63  }
0x60: {  	v3 =	vadd.s32 @p1 v1, v3;
	s29 =	sor.u32 @p1 $0x2600, s28  }
0x61: {  	[tilespmem:s29], [sflag:s26] =	stream.indirect_vreg.gather @p1 [hbm4b:s10+s5], $0x80, v4, vm0, $0xb8;
	[tilespmem:$0x11600] =	vst v63  }
0x62: {  	s29 =	sor.u32 @p1 $0x2E00, s28  }
0x63: {  	[tilespmem:s29], [sflag:s26] =	stream.indirect_vreg.gather @p1 [hbm4b:s11+s5], $0x80, v4, vm0, $0xb8;
	[tilespmem:$0x11600] =	vst v63  }
0x64: {  	s29 =	sor.u32 @p1 $0x3600, s28  }
0x65: {  	[tilespmem:s29], [sflag:s26] =	stream.indirect_vreg.gather @p1 [hbm4b:s1+s5], $0x80, v3, vm0, $0xb8;
	[tilespmem:$0x11600] =	vst v63  }
0x66: {  	s29 =	sor.u32 @p1 $0x3E00, s28  }
0x67: {  	[tilespmem:s29], [sflag:s26] =	stream.indirect_vreg.gather @p1 [hbm4b:s9+s5], $0x80, v3, vm0, $0xb8;
	[tilespmem:$0x11600] =	vst v63  }
0x68: {  	s29 =	sadd.s32 @p1 $0x4600, s28  }
0x69: {  	[tilespmem:s29], [sflag:s26] =	stream.indirect_vreg.gather @p1 [hbm4b:s10+s5], $0x80, v3, vm0, $0xb8;
	[tilespmem:$0x11600] =	vst v63  }
0x6a: {  	s28 =	sadd.s32 @p1 $0x4E00, s28  }
0x6b: {  	[tilespmem:s28], [sflag:s26] =	stream.indirect_vreg.gather @p1 [hbm4b:s11+s5], $0x80, v3, vm0, $0xb8;
	[tilespmem:$0x11600] =	vst v63  }
0x6c: {  	s26 =	sand.u32 $0x3, s24  }
0x6d: {  	s29 =	sadd.s32 $0x1, s26  }
0x6e: {  	_ =	swait.ge [sflag:s29], $0x4000  }
0x6f: {  	[sflag:s29] =	ssyncset.done $0x0  }
0x70: {  	[sflag:s29] =	ssyncadd.s32 $0xFFFFC000  }
0x71: {  	v63 =	vld [tilespmem:s21+$0x0];
	_ =	sdelay $0x4  }
0x72: {  	(v2sf) =	vpush v63, $0x0;
	_ =	sdelay $0xb  }
0x73: {  	v3 =	vld [tilespmem:s20+$0x0];
	_ =	sdelay $0x2  }
0x74: {  	s30 =	spop (v2sf)  }
0x75: {  	p3 =	sne.s32 s30, $0x0  }
0x76: {  	(v2sf) =	vpush @!p3 v3, $0x0;
	_ =	sdelay $0x3  }
0x77: {  	(v2sf) =	vpush v63, $0x1;
	_ =	sdelay $0xa  }
0x78: {  	s28 =	spop @!p3 (v2sf)  }
0x79: {  	s29 =	sshll.u32 @!p3 s28, $0xA  }
0x7a: {  	s28 =	sshll.u32 @!p3 s28, $0x7;
	s29 =	sand.u32 @!p3 $0xFFFFE000, s29  }
0x7b: {  	s30 =	sshll.u32 @!p3 s26, $0xE;
	s28 =	sand.u32 @!p3 $0x380, s28;
	s29 =	sadd.s32 @!p3 s29, s4  }
0x7c: {  	s31 =	spop (v2sf);
	s28 =	sadd.s32 @!p3 s28, s29;
	s29 =	sor.u32 @!p3 $0x1600, s30  }
0x7d: {  	[tilespmem:s29], [sflag:$0x9] =	stream.linear.gather @!p3 [spmem:s28], $0x80, $0x38;
	[tilespmem:$0x11600] =	vst v63  }
0x7e: {  	p0 =	sne.s32 s31, $0x0;
	s31 =	sor.u32 @!p3 $0x1A00, s30;
	s29 =	sadd.s32 @!p3 $0x400, s28  }
0x7f: {  	(v2sf) =	vpush @!p0 v3, $0x1;
	[tilespmem:s31], [sflag:$0x9] =	stream.linear.gather @!p3 [spmem:s29], $0x80, $0x38;
	[tilespmem:$0x11600] =	vst v63  }
0x80: {  	s29 =	sadd.s32 @!p3 $0x800, s28;
	s31 =	sor.u32 @!p3 $0x1E00, s30  }
0x81: {  	[tilespmem:s31], [sflag:$0x9] =	stream.linear.gather @!p3 [spmem:s29], $0x80, $0x38;
	[tilespmem:$0x11600] =	vst v63  }
0x82: {  	s29 =	sadd.s32 @!p3 $0xC00, s28;
	s31 =	sor.u32 @!p3 $0x2200, s30  }
0x83: {  	(v2sf) =	vpush v63, $0x2;
	[tilespmem:s31], [sflag:$0x9] =	stream.linear.gather @!p3 [spmem:s29], $0x80, $0x38;
	[tilespmem:$0x11600] =	vst v63  }
0x84: {  	s29 =	sadd.s32 @!p3 $0x1000, s28;
	s31 =	sor.u32 @!p3 $0x2600, s30  }
0x85: {  	[tilespmem:s31], [sflag:$0x9] =	stream.linear.gather @!p3 [spmem:s29], $0x80, $0x38;
	[tilespmem:$0x11600] =	vst v63  }
0x86: {  	s29 =	sadd.s32 @!p3 $0x1400, s28;
	s31 =	sor.u32 @!p3 $0x2A00, s30  }
0x87: {  	[tilespmem:s31], [sflag:$0x9] =	stream.linear.gather @!p3 [spmem:s29], $0x80, $0x38;
	[tilespmem:$0x11600] =	vst v63  }
0x88: {  	s29 =	sadd.s32 @!p3 $0x1800, s28;
	s31 =	sor.u32 @!p3 $0x2E00, s30  }
0x89: {  	[tilespmem:s31], [sflag:$0x9] =	stream.linear.gather @!p3 [spmem:s29], $0x80, $0x38;
	[tilespmem:$0x11600] =	vst v63  }
0x8a: {  	s28 =	sadd.s32 @!p3 $0x1C00, s28;
	s29 =	sor.u32 @!p3 $0x3200, s30  }
0x8b: {  	[tilespmem:s29], [sflag:$0x9] =	stream.linear.gather @!p3 [spmem:s28], $0x80, $0x38;
	[tilespmem:$0x11600] =	vst v63  }
0x8c: {  	s28 =	simm.s32 @!p0 $0x0  }
0x8d: {  	s28 =	simm.s32 @p0 $0x1  }
0x8e: {  	[smem:$0x7F5] =	sst s28;
	s28 =	spop @!p0 (v2sf)  }
0x8f: {  	s29 =	sshll.u32 @!p0 s28, $0xA  }
0x90: {  	s28 =	sshll.u32 @!p0 s28, $0x7;
	s29 =	sand.u32 @!p0 $0xFFFFE000, s29  }
0x91: {  	s30 =	sshll.u32 @!p0 s26, $0xE;
	s28 =	sand.u32 @!p0 $0x380, s28;
	s29 =	sadd.s32 @!p0 s29, s4  }
0x92: {  	s31 =	spop (v2sf);
	s28 =	sadd.s32 @!p0 s28, s29;
	s29 =	sor.u32 @!p0 $0x1680, s30  }
0x93: {  	[tilespmem:s29], [sflag:$0x9] =	stream.linear.gather @!p0 [spmem:s28], $0x80, $0x38;
	[tilespmem:$0x11600] =	vst v63  }
0x94: {  	p1 =	sne.s32 s31, $0x0;
	s31 =	sor.u32 @!p0 $0x1A80, s30;
	s29 =	sadd.s32 @!p0 $0x400, s28  }
0x95: {  	(v2sf) =	vpush @!p1 v3, $0x2;
	[tilespmem:s31], [sflag:$0x9] =	stream.linear.gather @!p0 [spmem:s29], $0x80, $0x38;
	[tilespmem:$0x11600] =	vst v63  }
0x96: {  	s29 =	sadd.s32 @!p0 $0x800, s28;
	s31 =	sor.u32 @!p0 $0x1E80, s30  }
0x97: {  	[tilespmem:s31], [sflag:$0x9] =	stream.linear.gather @!p0 [spmem:s29], $0x80, $0x38;
	[tilespmem:$0x11600] =	vst v63  }
0x98: {  	s29 =	sadd.s32 @!p0 $0xC00, s28;
	s31 =	sor.u32 @!p0 $0x2280, s30  }
0x99: {  	(v2sf) =	vpush v63, $0x3;
	[tilespmem:s31], [sflag:$0x9] =	stream.linear.gather @!p0 [spmem:s29], $0x80, $0x38;
	[tilespmem:$0x11600] =	vst v63  }
0x9a: {  	s29 =	sadd.s32 @!p0 $0x1000, s28;
	s31 =	sor.u32 @!p0 $0x2680, s30  }
0x9b: {  	[tilespmem:s31], [sflag:$0x9] =	stream.linear.gather @!p0 [spmem:s29], $0x80, $0x38;
	[tilespmem:$0x11600] =	vst v63  }
0x9c: {  	s29 =	sadd.s32 @!p0 $0x1400, s28;
	s31 =	sor.u32 @!p0 $0x2A80, s30  }
0x9d: {  	[tilespmem:s31], [sflag:$0x9] =	stream.linear.gather @!p0 [spmem:s29], $0x80, $0x38;
	[tilespmem:$0x11600] =	vst v63  }
0x9e: {  	s29 =	sadd.s32 @!p0 $0x1800, s28;
	s31 =	sor.u32 @!p0 $0x2E80, s30  }
0x9f: {  	[tilespmem:s31], [sflag:$0x9] =	stream.linear.gather @!p0 [spmem:s29], $0x80, $0x38;
	[tilespmem:$0x11600] =	vst v63  }
0xa0: {  	s28 =	sadd.s32 @!p0 $0x1C00, s28;
	s29 =	sor.u32 @!p0 $0x3280, s30  }
0xa1: {  	[tilespmem:s29], [sflag:$0x9] =	stream.linear.gather @!p0 [spmem:s28], $0x80, $0x38;
	[tilespmem:$0x11600] =	vst v63  }
0xa2: {  	s28 =	simm.s32 @!p1 $0x0  }
0xa3: {  	s28 =	simm.s32 @p1 $0x1  }
0xa4: {  	[smem:$0x7F6] =	sst s28;
	s28 =	spop @!p1 (v2sf)  }
0xa5: {  	s29 =	sshll.u32 @!p1 s28, $0xA  }
0xa6: {  	s30 =	sshll.u32 @!p1 s26, $0xE;
	s28 =	sshll.u32 @!p1 s28, $0x7;
	s29 =	sand.u32 @!p1 $0xFFFFE000, s29  }
0xa7: {  	p0 =	por p1, p1;
	s28 =	sand.u32 @!p1 $0x380, s28;
	s29 =	sadd.s32 @!p1 s29, s4  }
0xa8: {  	s31 =	spop (v2sf);
	s28 =	sadd.s32 @!p1 s28, s29;
	s29 =	sor.u32 @!p1 $0x1700, s30  }
0xa9: {  	[tilespmem:s29], [sflag:$0x9] =	stream.linear.gather @!p0 [spmem:s28], $0x80, $0x38;
	[tilespmem:$0x11600] =	vst v63  }
0xaa: {  	p1 =	sne.s32 s31, $0x0;
	s31 =	sor.u32 @!p0 $0x1B00, s30;
	s29 =	sadd.s32 @!p0 $0x400, s28  }
0xab: {  	(v2sf) =	vpush @!p1 v3, $0x3;
	[tilespmem:s31], [sflag:$0x9] =	stream.linear.gather @!p0 [spmem:s29], $0x80, $0x38;
	[tilespmem:$0x11600] =	vst v63  }
0xac: {  	s29 =	sadd.s32 @!p0 $0x800, s28;
	s31 =	sor.u32 @!p0 $0x1F00, s30  }
0xad: {  	[tilespmem:s31], [sflag:$0x9] =	stream.linear.gather @!p0 [spmem:s29], $0x80, $0x38;
	[tilespmem:$0x11600] =	vst v63  }
0xae: {  	s29 =	sadd.s32 @!p0 $0xC00, s28;
	s31 =	sor.u32 @!p0 $0x2300, s30  }
0xaf: {  	(v2sf) =	vpush v63, $0x4;
	[tilespmem:s31], [sflag:$0x9] =	stream.linear.gather @!p0 [spmem:s29], $0x80, $0x38;
	[tilespmem:$0x11600] =	vst v63  }
0xb0: {  	s29 =	sadd.s32 @!p0 $0x1000, s28;
	s31 =	sor.u32 @!p0 $0x2700, s30  }
0xb1: {  	[tilespmem:s31], [sflag:$0x9] =	stream.linear.gather @!p0 [spmem:s29], $0x80, $0x38;
	[tilespmem:$0x11600] =	vst v63  }
0xb2: {  	s29 =	sadd.s32 @!p0 $0x1400, s28;
	s31 =	sor.u32 @!p0 $0x2B00, s30  }
0xb3: {  	[tilespmem:s31], [sflag:$0x9] =	stream.linear.gather @!p0 [spmem:s29], $0x80, $0x38;
	[tilespmem:$0x11600] =	vst v63  }
0xb4: {  	s29 =	sadd.s32 @!p0 $0x1800, s28;
	s31 =	sor.u32 @!p0 $0x2F00, s30  }
0xb5: {  	[tilespmem:s31], [sflag:$0x9] =	stream.linear.gather @!p0 [spmem:s29], $0x80, $0x38;
	[tilespmem:$0x11600] =	vst v63  }
0xb6: {  	s28 =	sadd.s32 @!p0 $0x1C00, s28;
	s29 =	sor.u32 @!p0 $0x3300, s30  }
0xb7: {  	[tilespmem:s29], [sflag:$0x9] =	stream.linear.gather @!p0 [spmem:s28], $0x80, $0x38;
	[tilespmem:$0x11600] =	vst v63  }
0xb8: {  	s28 =	simm.s32 @!p1 $0x0  }
0xb9: {  	s28 =	simm.s32 @p1 $0x1  }
0xba: {  	[smem:$0x7F7] =	sst s28;
	s28 =	spop @!p1 (v2sf)  }
0xbb: {  	s29 =	sshll.u32 @!p1 s28, $0xA  }
0xbc: {  	s30 =	sshll.u32 @!p1 s26, $0xE;
	s28 =	sshll.u32 @!p1 s28, $0x7;
	s29 =	sand.u32 @!p1 $0xFFFFE000, s29  }
0xbd: {  	p0 =	por p1, p1;
	s28 =	sand.u32 @!p1 $0x380, s28;
	s29 =	sadd.s32 @!p1 s29, s4  }
0xbe: {  	s31 =	spop (v2sf);
	s28 =	sadd.s32 @!p1 s28, s29;
	s29 =	sor.u32 @!p1 $0x1780, s30  }
0xbf: {  	[tilespmem:s29], [sflag:$0x9] =	stream.linear.gather @!p0 [spmem:s28], $0x80, $0x38;
	[tilespmem:$0x11600] =	vst v63  }
0xc0: {  	p1 =	sne.s32 s31, $0x0;
	s31 =	sor.u32 @!p0 $0x1B80, s30;
	s29 =	sadd.s32 @!p0 $0x400, s28  }
0xc1: {  	(v2sf) =	vpush @!p1 v3, $0x4;
	[tilespmem:s31], [sflag:$0x9] =	stream.linear.gather @!p0 [spmem:s29], $0x80, $0x38;
	[tilespmem:$0x11600] =	vst v63  }
0xc2: {  	s29 =	sadd.s32 @!p0 $0x800, s28;
	s31 =	sor.u32 @!p0 $0x1F80, s30  }
0xc3: {  	[tilespmem:s31], [sflag:$0x9] =	stream.linear.gather @!p0 [spmem:s29], $0x80, $0x38;
	[tilespmem:$0x11600] =	vst v63  }
0xc4: {  	s29 =	sadd.s32 @!p0 $0xC00, s28;
	s31 =	sor.u32 @!p0 $0x2380, s30  }
0xc5: {  	(v2sf) =	vpush v63, $0x5;
	[tilespmem:s31], [sflag:$0x9] =	stream.linear.gather @!p0 [spmem:s29], $0x80, $0x38;
	[tilespmem:$0x11600] =	vst v63  }
0xc6: {  	s29 =	sadd.s32 @!p0 $0x1000, s28;
	s31 =	sor.u32 @!p0 $0x2780, s30  }
0xc7: {  	[tilespmem:s31], [sflag:$0x9] =	stream.linear.gather @!p0 [spmem:s29], $0x80, $0x38;
	[tilespmem:$0x11600] =	vst v63  }
0xc8: {  	s29 =	sadd.s32 @!p0 $0x1400, s28;
	s31 =	sor.u32 @!p0 $0x2B80, s30  }
0xc9: {  	[tilespmem:s31], [sflag:$0x9] =	stream.linear.gather @!p0 [spmem:s29], $0x80, $0x38;
	[tilespmem:$0x11600] =	vst v63  }
0xca: {  	s29 =	sadd.s32 @!p0 $0x1800, s28;
	s31 =	sor.u32 @!p0 $0x2F80, s30  }
0xcb: {  	[tilespmem:s31], [sflag:$0x9] =	stream.linear.gather @!p0 [spmem:s29], $0x80, $0x38;
	[tilespmem:$0x11600] =	vst v63  }
0xcc: {  	s28 =	sadd.s32 @!p0 $0x1C00, s28;
	s29 =	sor.u32 @!p0 $0x3380, s30  }
0xcd: {  	[tilespmem:s29], [sflag:$0x9] =	stream.linear.gather @!p0 [spmem:s28], $0x80, $0x38;
	[tilespmem:$0x11600] =	vst v63  }
0xce: {  	s28 =	simm.s32 @!p1 $0x0  }
0xcf: {  	s28 =	simm.s32 @p1 $0x1  }
0xd0: {  	[smem:$0x7F8] =	sst s28;
	s28 =	spop @!p1 (v2sf)  }
0xd1: {  	s29 =	sshll.u32 @!p1 s28, $0xA  }
0xd2: {  	s30 =	sshll.u32 @!p1 s26, $0xE;
	s28 =	sshll.u32 @!p1 s28, $0x7;
	s29 =	sand.u32 @!p1 $0xFFFFE000, s29  }
0xd3: {  	p0 =	por p1, p1;
	s28 =	sand.u32 @!p1 $0x380, s28;
	s29 =	sadd.s32 @!p1 s29, s4  }
0xd4: {  	s31 =	spop (v2sf);
	s28 =	sadd.s32 @!p1 s28, s29;
	s29 =	sor.u32 @!p1 $0x1800, s30  }
0xd5: {  	[tilespmem:s29], [sflag:$0x9] =	stream.linear.gather @!p0 [spmem:s28], $0x80, $0x38;
	[tilespmem:$0x11600] =	vst v63  }
0xd6: {  	p1 =	sne.s32 s31, $0x0;
	s31 =	sor.u32 @!p0 $0x1C00, s30;
	s29 =	sadd.s32 @!p0 $0x400, s28  }
0xd7: {  	(v2sf) =	vpush @!p1 v3, $0x5;
	[tilespmem:s31], [sflag:$0x9] =	stream.linear.gather @!p0 [spmem:s29], $0x80, $0x38;
	[tilespmem:$0x11600] =	vst v63  }
0xd8: {  	s29 =	sadd.s32 @!p0 $0x800, s28;
	s31 =	sor.u32 @!p0 $0x2000, s30  }
0xd9: {  	[tilespmem:s31], [sflag:$0x9] =	stream.linear.gather @!p0 [spmem:s29], $0x80, $0x38;
	[tilespmem:$0x11600] =	vst v63  }
0xda: {  	s29 =	sadd.s32 @!p0 $0xC00, s28;
	s31 =	sor.u32 @!p0 $0x2400, s30  }
0xdb: {  	(v2sf) =	vpush v63, $0x6;
	[tilespmem:s31], [sflag:$0x9] =	stream.linear.gather @!p0 [spmem:s29], $0x80, $0x38;
	[tilespmem:$0x11600] =	vst v63  }
0xdc: {  	s29 =	sadd.s32 @!p0 $0x1000, s28;
	s31 =	sor.u32 @!p0 $0x2800, s30  }
0xdd: {  	[tilespmem:s31], [sflag:$0x9] =	stream.linear.gather @!p0 [spmem:s29], $0x80, $0x38;
	[tilespmem:$0x11600] =	vst v63  }
0xde: {  	s29 =	sadd.s32 @!p0 $0x1400, s28;
	s31 =	sor.u32 @!p0 $0x2C00, s30  }
0xdf: {  	[tilespmem:s31], [sflag:$0x9] =	stream.linear.gather @!p0 [spmem:s29], $0x80, $0x38;
	[tilespmem:$0x11600] =	vst v63  }
0xe0: {  	s29 =	sadd.s32 @!p0 $0x1800, s28;
	s31 =	sor.u32 @!p0 $0x3000, s30  }
0xe1: {  	[tilespmem:s31], [sflag:$0x9] =	stream.linear.gather @!p0 [spmem:s29], $0x80, $0x38;
	[tilespmem:$0x11600] =	vst v63  }
0xe2: {  	s28 =	sadd.s32 @!p0 $0x1C00, s28;
	s29 =	sor.u32 @!p0 $0x3400, s30  }
0xe3: {  	[tilespmem:s29], [sflag:$0x9] =	stream.linear.gather @!p0 [spmem:s28], $0x80, $0x38;
	[tilespmem:$0x11600] =	vst v63  }
0xe4: {  	s28 =	simm.s32 @!p1 $0x0  }
0xe5: {  	s28 =	simm.s32 @p1 $0x1  }
0xe6: {  	[smem:$0x7F9] =	sst s28;
	s28 =	spop @!p1 (v2sf)  }
0xe7: {  	s29 =	sshll.u32 @!p1 s28, $0xA  }
0xe8: {  	s30 =	sshll.u32 @!p1 s26, $0xE;
	s28 =	sshll.u32 @!p1 s28, $0x7;
	s29 =	sand.u32 @!p1 $0xFFFFE000, s29  }
0xe9: {  	p0 =	por p1, p1;
	s28 =	sand.u32 @!p1 $0x380, s28;
	s29 =	sadd.s32 @!p1 s29, s4  }
0xea: {  	s31 =	spop (v2sf);
	s28 =	sadd.s32 @!p1 s28, s29;
	s29 =	sor.u32 @!p1 $0x1880, s30  }
0xeb: {  	[tilespmem:s29], [sflag:$0x9] =	stream.linear.gather @!p0 [spmem:s28], $0x80, $0x38;
	[tilespmem:$0x11600] =	vst v63  }
0xec: {  	p1 =	sne.s32 s31, $0x0;
	s31 =	sor.u32 @!p0 $0x1C80, s30;
	s29 =	sadd.s32 @!p0 $0x400, s28  }
0xed: {  	(v2sf) =	vpush @!p1 v3, $0x6;
	[tilespmem:s31], [sflag:$0x9] =	stream.linear.gather @!p0 [spmem:s29], $0x80, $0x38;
	[tilespmem:$0x11600] =	vst v63  }
0xee: {  	s29 =	sadd.s32 @!p0 $0x800, s28;
	s31 =	sor.u32 @!p0 $0x2080, s30  }
0xef: {  	[tilespmem:s31], [sflag:$0x9] =	stream.linear.gather @!p0 [spmem:s29], $0x80, $0x38;
	[tilespmem:$0x11600] =	vst v63  }
0xf0: {  	s29 =	sadd.s32 @!p0 $0xC00, s28;
	s31 =	sor.u32 @!p0 $0x2480, s30  }
0xf1: {  	(v2sf) =	vpush v63, $0x7;
	[tilespmem:s31], [sflag:$0x9] =	stream.linear.gather @!p0 [spmem:s29], $0x80, $0x38;
	[tilespmem:$0x11600] =	vst v63  }
0xf2: {  	s29 =	sadd.s32 @!p0 $0x1000, s28;
	s31 =	sor.u32 @!p0 $0x2880, s30  }
0xf3: {  	[tilespmem:s31], [sflag:$0x9] =	stream.linear.gather @!p0 [spmem:s29], $0x80, $0x38;
	[tilespmem:$0x11600] =	vst v63  }
0xf4: {  	s29 =	sadd.s32 @!p0 $0x1400, s28;
	s31 =	sor.u32 @!p0 $0x2C80, s30  }
0xf5: {  	[tilespmem:s31], [sflag:$0x9] =	stream.linear.gather @!p0 [spmem:s29], $0x80, $0x38;
	[tilespmem:$0x11600] =	vst v63  }
0xf6: {  	s29 =	sadd.s32 @!p0 $0x1800, s28;
	s31 =	sor.u32 @!p0 $0x3080, s30  }
0xf7: {  	[tilespmem:s31], [sflag:$0x9] =	stream.linear.gather @!p0 [spmem:s29], $0x80, $0x38;
	[tilespmem:$0x11600] =	vst v63  }
0xf8: {  	s28 =	sadd.s32 @!p0 $0x1C00, s28;
	s29 =	sor.u32 @!p0 $0x3480, s30  }
0xf9: {  	[tilespmem:s29], [sflag:$0x9] =	stream.linear.gather @!p0 [spmem:s28], $0x80, $0x38;
	[tilespmem:$0x11600] =	vst v63  }
0xfa: {  	s28 =	simm.s32 @!p1 $0x0  }
0xfb: {  	s28 =	simm.s32 @p1 $0x1  }
0xfc: {  	[smem:$0x7FA] =	sst s28;
	s28 =	spop @!p1 (v2sf)  }
0xfd: {  	s29 =	sshll.u32 @!p1 s28, $0xA  }
0xfe: {  	s30 =	sshll.u32 @!p1 s26, $0xE;
	s28 =	sshll.u32 @!p1 s28, $0x7;
	s29 =	sand.u32 @!p1 $0xFFFFE000, s29  }
0xff: {  	p0 =	por p1, p1;
	s28 =	sand.u32 @!p1 $0x380, s28;
	s29 =	sadd.s32 @!p1 s29, s4  }
0x100: {  	s31 =	spop (v2sf);
	s28 =	sadd.s32 @!p1 s28, s29;
	s29 =	sor.u32 @!p1 $0x1900, s30  }
0x101: {  	[tilespmem:s29], [sflag:$0x9] =	stream.linear.gather @!p0 [spmem:s28], $0x80, $0x38;
	[tilespmem:$0x11600] =	vst v63  }
0x102: {  	p1 =	sne.s32 s31, $0x0;
	s31 =	sor.u32 @!p0 $0x1D00, s30;
	s29 =	sadd.s32 @!p0 $0x400, s28  }
0x103: {  	(v2sf) =	vpush @!p1 v3, $0x7;
	[tilespmem:s31], [sflag:$0x9] =	stream.linear.gather @!p0 [spmem:s29], $0x80, $0x38;
	[tilespmem:$0x11600] =	vst v63  }
0x104: {  	s29 =	sadd.s32 @!p0 $0x800, s28;
	s31 =	sor.u32 @!p0 $0x2100, s30  }
0x105: {  	[tilespmem:s31], [sflag:$0x9] =	stream.linear.gather @!p0 [spmem:s29], $0x80, $0x38;
	[tilespmem:$0x11600] =	vst v63  }
0x106: {  	s29 =	sadd.s32 @!p0 $0xC00, s28;
	s31 =	sor.u32 @!p0 $0x2500, s30  }
0x107: {  	(v2sf) =	vpush v63, $0x8;
	[tilespmem:s31], [sflag:$0x9] =	stream.linear.gather @!p0 [spmem:s29], $0x80, $0x38;
	[tilespmem:$0x11600] =	vst v63  }
0x108: {  	s29 =	sadd.s32 @!p0 $0x1000, s28;
	s31 =	sor.u32 @!p0 $0x2900, s30  }
0x109: {  	[tilespmem:s31], [sflag:$0x9] =	stream.linear.gather @!p0 [spmem:s29], $0x80, $0x38;
	[tilespmem:$0x11600] =	vst v63  }
0x10a: {  	s29 =	sadd.s32 @!p0 $0x1400, s28;
	s31 =	sor.u32 @!p0 $0x2D00, s30  }
0x10b: {  	[tilespmem:s31], [sflag:$0x9] =	stream.linear.gather @!p0 [spmem:s29], $0x80, $0x38;
	[tilespmem:$0x11600] =	vst v63  }
0x10c: {  	s29 =	sadd.s32 @!p0 $0x1800, s28;
	s31 =	sor.u32 @!p0 $0x3100, s30  }
0x10d: {  	[tilespmem:s31], [sflag:$0x9] =	stream.linear.gather @!p0 [spmem:s29], $0x80, $0x38;
	[tilespmem:$0x11600] =	vst v63  }
0x10e: {  	s28 =	sadd.s32 @!p0 $0x1C00, s28;
	s29 =	sor.u32 @!p0 $0x3500, s30  }
0x10f: {  	[tilespmem:s29], [sflag:$0x9] =	stream.linear.gather @!p0 [spmem:s28], $0x80, $0x38;
	[tilespmem:$0x11600] =	vst v63  }
0x110: {  	s28 =	simm.s32 @!p1 $0x0  }
0x111: {  	s28 =	simm.s32 @p1 $0x1  }
0x112: {  	[smem:$0x7FB] =	sst s28;
	s28 =	spop @!p1 (v2sf)  }
0x113: {  	s29 =	sshll.u32 @!p1 s28, $0xA  }
0x114: {  	s30 =	sshll.u32 @!p1 s26, $0xE;
	s28 =	sshll.u32 @!p1 s28, $0x7;
	s29 =	sand.u32 @!p1 $0xFFFFE000, s29  }
0x115: {  	p0 =	por p1, p1;
	s28 =	sand.u32 @!p1 $0x380, s28;
	s29 =	sadd.s32 @!p1 s29, s4  }
0x116: {  	s31 =	spop (v2sf);
	s28 =	sadd.s32 @!p1 s28, s29;
	s29 =	sor.u32 @!p1 $0x1980, s30  }
0x117: {  	[tilespmem:s29], [sflag:$0x9] =	stream.linear.gather @!p0 [spmem:s28], $0x80, $0x38;
	[tilespmem:$0x11600] =	vst v63  }
0x118: {  	p1 =	sne.s32 s31, $0x0;
	s31 =	sor.u32 @!p0 $0x1D80, s30;
	s29 =	sadd.s32 @!p0 $0x400, s28  }
0x119: {  	(v2sf) =	vpush @!p1 v3, $0x8;
	[tilespmem:s31], [sflag:$0x9] =	stream.linear.gather @!p0 [spmem:s29], $0x80, $0x38;
	[tilespmem:$0x11600] =	vst v63  }
0x11a: {  	s29 =	sadd.s32 @!p0 $0x800, s28;
	s31 =	sor.u32 @!p0 $0x2180, s30  }
0x11b: {  	[tilespmem:s31], [sflag:$0x9] =	stream.linear.gather @!p0 [spmem:s29], $0x80, $0x38;
	[tilespmem:$0x11600] =	vst v63  }
0x11c: {  	s29 =	sadd.s32 @!p0 $0xC00, s28;
	s31 =	sor.u32 @!p0 $0x2580, s30  }
0x11d: {  	(v2sf) =	vpush v63, $0x9;
	[tilespmem:s31], [sflag:$0x9] =	stream.linear.gather @!p0 [spmem:s29], $0x80, $0x38;
	[tilespmem:$0x11600] =	vst v63  }
0x11e: {  	s29 =	sadd.s32 @!p0 $0x1000, s28;
	s31 =	sor.u32 @!p0 $0x2980, s30  }
0x11f: {  	[tilespmem:s31], [sflag:$0x9] =	stream.linear.gather @!p0 [spmem:s29], $0x80, $0x38;
	[tilespmem:$0x11600] =	vst v63  }
0x120: {  	s29 =	sadd.s32 @!p0 $0x1400, s28;
	s31 =	sor.u32 @!p0 $0x2D80, s30  }
0x121: {  	[tilespmem:s31], [sflag:$0x9] =	stream.linear.gather @!p0 [spmem:s29], $0x80, $0x38;
	[tilespmem:$0x11600] =	vst v63  }
0x122: {  	s29 =	sadd.s32 @!p0 $0x1800, s28;
	s31 =	sor.u32 @!p0 $0x3180, s30  }
0x123: {  	[tilespmem:s31], [sflag:$0x9] =	stream.linear.gather @!p0 [spmem:s29], $0x80, $0x38;
	[tilespmem:$0x11600] =	vst v63  }
0x124: {  	s28 =	sadd.s32 @!p0 $0x1C00, s28;
	s29 =	sor.u32 @!p0 $0x3580, s30  }
0x125: {  	[tilespmem:s29], [sflag:$0x9] =	stream.linear.gather @!p0 [spmem:s28], $0x80, $0x38;
	[tilespmem:$0x11600] =	vst v63  }
0x126: {  	s28 =	simm.s32 @!p1 $0x0  }
0x127: {  	s28 =	simm.s32 @p1 $0x1  }
0x128: {  	[smem:$0x7FC] =	sst s28;
	s28 =	spop @!p1 (v2sf)  }
0x129: {  	s29 =	sshll.u32 @!p1 s28, $0xA  }
0x12a: {  	s30 =	sshll.u32 @!p1 s26, $0xE;
	s28 =	sshll.u32 @!p1 s28, $0x7;
	s29 =	sand.u32 @!p1 $0xFFFFE000, s29  }
0x12b: {  	p0 =	por p1, p1;
	s28 =	sand.u32 @!p1 $0x380, s28;
	s29 =	sadd.s32 @!p1 s29, s4  }
0x12c: {  	s31 =	spop (v2sf);
	s28 =	sadd.s32 @!p1 s28, s29;
	s29 =	sor.u32 @!p1 $0x3600, s30  }
0x12d: {  	[tilespmem:s29], [sflag:$0x9] =	stream.linear.gather @!p0 [spmem:s28], $0x80, $0x38;
	[tilespmem:$0x11600] =	vst v63  }
0x12e: {  	p1 =	sne.s32 s31, $0x0;
	s31 =	sor.u32 @!p0 $0x3A00, s30;
	s29 =	sadd.s32 @!p0 $0x400, s28  }
0x12f: {  	(v2sf) =	vpush @!p1 v3, $0x9;
	[tilespmem:s31], [sflag:$0x9] =	stream.linear.gather @!p0 [spmem:s29], $0x80, $0x38;
	[tilespmem:$0x11600] =	vst v63  }
0x130: {  	s29 =	sadd.s32 @!p0 $0x800, s28;
	s31 =	sor.u32 @!p0 $0x3E00, s30  }
0x131: {  	[tilespmem:s31], [sflag:$0x9] =	stream.linear.gather @!p0 [spmem:s29], $0x80, $0x38;
	[tilespmem:$0x11600] =	vst v63  }
0x132: {  	(v2sf) =	vpush v63, $0xA;
	s29 =	sadd.s32 @!p0 $0xC00, s28;
	s31 =	sadd.s32 @!p0 $0x4200, s30  }
0x133: {  	[tilespmem:s31], [sflag:$0x9] =	stream.linear.gather @!p0 [spmem:s29], $0x80, $0x38;
	[tilespmem:$0x11600] =	vst v63  }
0x134: {  	s29 =	sadd.s32 @!p0 $0x1000, s28;
	s31 =	sadd.s32 @!p0 $0x4600, s30  }
0x135: {  	[tilespmem:s31], [sflag:$0x9] =	stream.linear.gather @!p0 [spmem:s29], $0x80, $0x38;
	[tilespmem:$0x11600] =	vst v63  }
0x136: {  	s29 =	sadd.s32 @!p0 $0x1400, s28;
	s31 =	sadd.s32 @!p0 $0x4A00, s30  }
0x137: {  	[tilespmem:s31], [sflag:$0x9] =	stream.linear.gather @!p0 [spmem:s29], $0x80, $0x38;
	[tilespmem:$0x11600] =	vst v63  }
0x138: {  	s29 =	sadd.s32 @!p0 $0x1800, s28;
	s31 =	sadd.s32 @!p0 $0x4E00, s30  }
0x139: {  	[tilespmem:s31], [sflag:$0x9] =	stream.linear.gather @!p0 [spmem:s29], $0x80, $0x38;
	[tilespmem:$0x11600] =	vst v63  }
0x13a: {  	s28 =	sadd.s32 @!p0 $0x1C00, s28;
	s29 =	sadd.s32 @!p0 $0x5200, s30  }
0x13b: {  	[tilespmem:s29], [sflag:$0x9] =	stream.linear.gather @!p0 [spmem:s28], $0x80, $0x38;
	[tilespmem:$0x11600] =	vst v63  }
0x13c: {  	s28 =	simm.s32 @!p1 $0x0  }
0x13d: {  	s28 =	simm.s32 @p1 $0x1  }
0x13e: {  	[smem:$0x7FD] =	sst s28;
	s28 =	spop @!p1 (v2sf)  }
0x13f: {  	s29 =	sshll.u32 @!p1 s28, $0xA  }
0x140: {  	s30 =	sshll.u32 @!p1 s26, $0xE;
	s28 =	sshll.u32 @!p1 s28, $0x7;
	s29 =	sand.u32 @!p1 $0xFFFFE000, s29  }
0x141: {  	s31 =	spop (v2sf);
	s28 =	sand.u32 @!p1 $0x380, s28;
	s29 =	sadd.s32 @!p1 s29, s4  }
0x142: {  	p6 =	sne.s32 s31, $0x0;
	s28 =	sadd.s32 @!p1 s28, s29;
	s29 =	sor.u32 @!p1 $0x3680, s30  }
0x143: {  	(v2sf) =	vpush @!p6 v3, $0xA;
	[tilespmem:s29], [sflag:$0x9] =	stream.linear.gather @!p1 [spmem:s28], $0x80, $0x38;
	[tilespmem:$0x11600] =	vst v63  }
0x144: {  	s31 =	sor.u32 @!p1 $0x3A80, s30;
	s29 =	sadd.s32 @!p1 $0x400, s28  }
0x145: {  	[tilespmem:s31], [sflag:$0x9] =	stream.linear.gather @!p1 [spmem:s29], $0x80, $0x38;
	[tilespmem:$0x11600] =	vst v63  }
0x146: {  	(v2sf) =	vpush v63, $0xB;
	s29 =	sadd.s32 @!p1 $0x800, s28;
	s31 =	sor.u32 @!p1 $0x3E80, s30  }
0x147: {  	[tilespmem:s31], [sflag:$0x9] =	stream.linear.gather @!p1 [spmem:s29], $0x80, $0x38;
	[tilespmem:$0x11600] =	vst v63  }
0x148: {  	s29 =	sadd.s32 @!p1 $0xC00, s28;
	s31 =	sadd.s32 @!p1 $0x4280, s30  }
0x149: {  	[tilespmem:s31], [sflag:$0x9] =	stream.linear.gather @!p1 [spmem:s29], $0x80, $0x38;
	[tilespmem:$0x11600] =	vst v63  }
0x14a: {  	s29 =	sadd.s32 @!p1 $0x1000, s28;
	s31 =	sadd.s32 @!p1 $0x4680, s30  }
0x14b: {  	[tilespmem:s31], [sflag:$0x9] =	stream.linear.gather @!p1 [spmem:s29], $0x80, $0x38;
	[tilespmem:$0x11600] =	vst v63  }
0x14c: {  	s29 =	sadd.s32 @!p1 $0x1400, s28;
	s31 =	sadd.s32 @!p1 $0x4A80, s30  }
0x14d: {  	[tilespmem:s31], [sflag:$0x9] =	stream.linear.gather @!p1 [spmem:s29], $0x80, $0x38;
	[tilespmem:$0x11600] =	vst v63  }
0x14e: {  	s29 =	sadd.s32 @!p1 $0x1800, s28;
	s31 =	sadd.s32 @!p1 $0x4E80, s30  }
0x14f: {  	[tilespmem:s31], [sflag:$0x9] =	stream.linear.gather @!p1 [spmem:s29], $0x80, $0x38;
	[tilespmem:$0x11600] =	vst v63  }
0x150: {  	s28 =	sadd.s32 @!p1 $0x1C00, s28;
	s29 =	sadd.s32 @!p1 $0x5280, s30  }
0x151: {  	[tilespmem:s29], [sflag:$0x9] =	stream.linear.gather @!p1 [spmem:s28], $0x80, $0x38;
	[tilespmem:$0x11600] =	vst v63  }
0x152: {  	s28 =	spop @!p6 (v2sf)  }
0x153: {  	s29 =	sshll.u32 @!p6 s28, $0xA  }
0x154: {  	s30 =	sshll.u32 @!p6 s26, $0xE;
	s28 =	sshll.u32 @!p6 s28, $0x7;
	s29 =	sand.u32 @!p6 $0xFFFFE000, s29  }
0x155: {  	s31 =	spop (v2sf);
	s28 =	sand.u32 @!p6 $0x380, s28;
	s29 =	sadd.s32 @!p6 s29, s4  }
0x156: {  	p5 =	sne.s32 s31, $0x0;
	s28 =	sadd.s32 @!p6 s28, s29;
	s29 =	sor.u32 @!p6 $0x3700, s30  }
0x157: {  	(v2sf) =	vpush @!p5 v3, $0xB;
	[tilespmem:s29], [sflag:$0x9] =	stream.linear.gather @!p6 [spmem:s28], $0x80, $0x38;
	[tilespmem:$0x11600] =	vst v63  }
0x158: {  	s31 =	sor.u32 @!p6 $0x3B00, s30;
	s29 =	sadd.s32 @!p6 $0x400, s28  }
0x159: {  	[tilespmem:s31], [sflag:$0x9] =	stream.linear.gather @!p6 [spmem:s29], $0x80, $0x38;
	[tilespmem:$0x11600] =	vst v63  }
0x15a: {  	(v2sf) =	vpush v63, $0xC;
	s29 =	sadd.s32 @!p6 $0x800, s28;
	s31 =	sor.u32 @!p6 $0x3F00, s30  }
0x15b: {  	[tilespmem:s31], [sflag:$0x9] =	stream.linear.gather @!p6 [spmem:s29], $0x80, $0x38;
	[tilespmem:$0x11600] =	vst v63  }
0x15c: {  	s29 =	sadd.s32 @!p6 $0xC00, s28;
	s31 =	sadd.s32 @!p6 $0x4300, s30  }
0x15d: {  	[tilespmem:s31], [sflag:$0x9] =	stream.linear.gather @!p6 [spmem:s29], $0x80, $0x38;
	[tilespmem:$0x11600] =	vst v63  }
0x15e: {  	s29 =	sadd.s32 @!p6 $0x1000, s28;
	s31 =	sadd.s32 @!p6 $0x4700, s30  }
0x15f: {  	[tilespmem:s31], [sflag:$0x9] =	stream.linear.gather @!p6 [spmem:s29], $0x80, $0x38;
	[tilespmem:$0x11600] =	vst v63  }
0x160: {  	s29 =	sadd.s32 @!p6 $0x1400, s28;
	s31 =	sadd.s32 @!p6 $0x4B00, s30  }
0x161: {  	[tilespmem:s31], [sflag:$0x9] =	stream.linear.gather @!p6 [spmem:s29], $0x80, $0x38;
	[tilespmem:$0x11600] =	vst v63  }
0x162: {  	s29 =	sadd.s32 @!p6 $0x1800, s28;
	s31 =	sadd.s32 @!p6 $0x4F00, s30  }
0x163: {  	[tilespmem:s31], [sflag:$0x9] =	stream.linear.gather @!p6 [spmem:s29], $0x80, $0x38;
	[tilespmem:$0x11600] =	vst v63  }
0x164: {  	s28 =	sadd.s32 @!p6 $0x1C00, s28;
	s29 =	sadd.s32 @!p6 $0x5300, s30  }
0x165: {  	[tilespmem:s29], [sflag:$0x9] =	stream.linear.gather @!p6 [spmem:s28], $0x80, $0x38;
	[tilespmem:$0x11600] =	vst v63  }
0x166: {  	s28 =	spop @!p5 (v2sf)  }
0x167: {  	s29 =	sshll.u32 @!p5 s28, $0xA  }
0x168: {  	s30 =	sshll.u32 @!p5 s26, $0xE;
	s28 =	sshll.u32 @!p5 s28, $0x7;
	s29 =	sand.u32 @!p5 $0xFFFFE000, s29  }
0x169: {  	s31 =	spop (v2sf);
	s28 =	sand.u32 @!p5 $0x380, s28;
	s29 =	sadd.s32 @!p5 s29, s4  }
0x16a: {  	p4 =	sne.s32 s31, $0x0;
	s28 =	sadd.s32 @!p5 s28, s29;
	s29 =	sor.u32 @!p5 $0x3780, s30  }
0x16b: {  	(v2sf) =	vpush @!p4 v3, $0xC;
	[tilespmem:s29], [sflag:$0x9] =	stream.linear.gather @!p5 [spmem:s28], $0x80, $0x38;
	[tilespmem:$0x11600] =	vst v63  }
0x16c: {  	s31 =	sor.u32 @!p5 $0x3B80, s30;
	s29 =	sadd.s32 @!p5 $0x400, s28  }
0x16d: {  	[tilespmem:s31], [sflag:$0x9] =	stream.linear.gather @!p5 [spmem:s29], $0x80, $0x38;
	[tilespmem:$0x11600] =	vst v63  }
0x16e: {  	(v2sf) =	vpush v63, $0xD;
	s29 =	sadd.s32 @!p5 $0x800, s28;
	s31 =	sor.u32 @!p5 $0x3F80, s30  }
0x16f: {  	[tilespmem:s31], [sflag:$0x9] =	stream.linear.gather @!p5 [spmem:s29], $0x80, $0x38;
	[tilespmem:$0x11600] =	vst v63  }
0x170: {  	s29 =	sadd.s32 @!p5 $0xC00, s28;
	s31 =	sadd.s32 @!p5 $0x4380, s30  }
0x171: {  	[tilespmem:s31], [sflag:$0x9] =	stream.linear.gather @!p5 [spmem:s29], $0x80, $0x38;
	[tilespmem:$0x11600] =	vst v63  }
0x172: {  	s29 =	sadd.s32 @!p5 $0x1000, s28;
	s31 =	sadd.s32 @!p5 $0x4780, s30  }
0x173: {  	[tilespmem:s31], [sflag:$0x9] =	stream.linear.gather @!p5 [spmem:s29], $0x80, $0x38;
	[tilespmem:$0x11600] =	vst v63  }
0x174: {  	s29 =	sadd.s32 @!p5 $0x1400, s28;
	s31 =	sadd.s32 @!p5 $0x4B80, s30  }
0x175: {  	[tilespmem:s31], [sflag:$0x9] =	stream.linear.gather @!p5 [spmem:s29], $0x80, $0x38;
	[tilespmem:$0x11600] =	vst v63  }
0x176: {  	s29 =	sadd.s32 @!p5 $0x1800, s28;
	s31 =	sadd.s32 @!p5 $0x4F80, s30  }
0x177: {  	[tilespmem:s31], [sflag:$0x9] =	stream.linear.gather @!p5 [spmem:s29], $0x80, $0x38;
	[tilespmem:$0x11600] =	vst v63  }
0x178: {  	s28 =	sadd.s32 @!p5 $0x1C00, s28;
	s29 =	sadd.s32 @!p5 $0x5380, s30  }
0x179: {  	[tilespmem:s29], [sflag:$0x9] =	stream.linear.gather @!p5 [spmem:s28], $0x80, $0x38;
	[tilespmem:$0x11600] =	vst v63  }
0x17a: {  	s28 =	spop @!p4 (v2sf)  }
0x17b: {  	s29 =	sshll.u32 @!p4 s28, $0xA  }
0x17c: {  	s30 =	sshll.u32 @!p4 s26, $0xE;
	s28 =	sshll.u32 @!p4 s28, $0x7;
	s29 =	sand.u32 @!p4 $0xFFFFE000, s29  }
0x17d: {  	s31 =	spop (v2sf);
	s28 =	sand.u32 @!p4 $0x380, s28;
	s29 =	sadd.s32 @!p4 s29, s4  }
0x17e: {  	p2 =	sne.s32 s31, $0x0;
	s28 =	sadd.s32 @!p4 s28, s29;
	s29 =	sor.u32 @!p4 $0x3800, s30  }
0x17f: {  	(v2sf) =	vpush @!p2 v3, $0xD;
	[tilespmem:s29], [sflag:$0x9] =	stream.linear.gather @!p4 [spmem:s28], $0x80, $0x38;
	[tilespmem:$0x11600] =	vst v63  }
0x180: {  	s31 =	sor.u32 @!p4 $0x3C00, s30;
	(v2sf) =	vpush v63, $0xE;
	s29 =	sadd.s32 @!p4 $0x400, s28  }
0x181: {  	[tilespmem:s31], [sflag:$0x9] =	stream.linear.gather @!p4 [spmem:s29], $0x80, $0x38;
	[tilespmem:$0x11600] =	vst v63  }
0x182: {  	s29 =	sadd.s32 @!p4 $0x800, s28;
	s31 =	sadd.s32 @!p4 $0x4000, s30  }
0x183: {  	[tilespmem:s31], [sflag:$0x9] =	stream.linear.gather @!p4 [spmem:s29], $0x80, $0x38;
	[tilespmem:$0x11600] =	vst v63  }
0x184: {  	s29 =	sadd.s32 @!p4 $0xC00, s28;
	s31 =	sadd.s32 @!p4 $0x4400, s30  }
0x185: {  	[tilespmem:s31], [sflag:$0x9] =	stream.linear.gather @!p4 [spmem:s29], $0x80, $0x38;
	[tilespmem:$0x11600] =	vst v63  }
0x186: {  	s29 =	sadd.s32 @!p4 $0x1000, s28;
	s31 =	sadd.s32 @!p4 $0x4800, s30  }
0x187: {  	[tilespmem:s31], [sflag:$0x9] =	stream.linear.gather @!p4 [spmem:s29], $0x80, $0x38;
	[tilespmem:$0x11600] =	vst v63  }
0x188: {  	s29 =	sadd.s32 @!p4 $0x1400, s28;
	s31 =	sadd.s32 @!p4 $0x4C00, s30  }
0x189: {  	[tilespmem:s31], [sflag:$0x9] =	stream.linear.gather @!p4 [spmem:s29], $0x80, $0x38;
	[tilespmem:$0x11600] =	vst v63  }
0x18a: {  	s29 =	sadd.s32 @!p4 $0x1800, s28;
	s31 =	sadd.s32 @!p4 $0x5000, s30  }
0x18b: {  	[tilespmem:s31], [sflag:$0x9] =	stream.linear.gather @!p4 [spmem:s29], $0x80, $0x38;
	[tilespmem:$0x11600] =	vst v63  }
0x18c: {  	s28 =	sadd.s32 @!p4 $0x1C00, s28;
	s29 =	sadd.s32 @!p4 $0x5400, s30  }
0x18d: {  	[tilespmem:s29], [sflag:$0x9] =	stream.linear.gather @!p4 [spmem:s28], $0x80, $0x38;
	[tilespmem:$0x11600] =	vst v63  }
0x18e: {  	s28 =	spop @!p2 (v2sf)  }
0x18f: {  	s29 =	sshll.u32 @!p2 s28, $0xA;
	s31 =	spop (v2sf)  }
0x190: {  	s28 =	sshll.u32 @!p2 s28, $0x7;
	s29 =	sand.u32 @!p2 $0xFFFFE000, s29;
	p1 =	sne.s32 s31, $0x0  }
0x191: {  	s30 =	sshll.u32 @!p2 s26, $0xE;
	s28 =	sand.u32 @!p2 $0x380, s28;
	s29 =	sadd.s32 @!p2 s29, s4;
	(v2sf) =	vpush @!p1 v3, $0xE  }
0x192: {  	s31 =	sor.u32 @!p2 $0x3880, s30;
	s28 =	sadd.s32 @!p2 s28, s29  }
0x193: {  	[tilespmem:s31], [sflag:$0x9] =	stream.linear.gather @!p2 [spmem:s28], $0x80, $0x38;
	[tilespmem:$0x11600] =	vst v63  }
0x194: {  	s29 =	sadd.s32 @!p2 $0x400, s28;
	s31 =	sor.u32 @!p2 $0x3C80, s30  }
0x195: {  	(v2sf) =	vpush v63, $0xF;
	[tilespmem:s31], [sflag:$0x9] =	stream.linear.gather @!p2 [spmem:s29], $0x80, $0x38;
	[tilespmem:$0x11600] =	vst v63  }
0x196: {  	s29 =	sadd.s32 @!p2 $0x800, s28;
	s31 =	sadd.s32 @!p2 $0x4080, s30  }
0x197: {  	[tilespmem:s31], [sflag:$0x9] =	stream.linear.gather @!p2 [spmem:s29], $0x80, $0x38;
	[tilespmem:$0x11600] =	vst v63  }
0x198: {  	s29 =	sadd.s32 @!p2 $0xC00, s28;
	s31 =	sadd.s32 @!p2 $0x4480, s30  }
0x199: {  	[tilespmem:s31], [sflag:$0x9] =	stream.linear.gather @!p2 [spmem:s29], $0x80, $0x38;
	[tilespmem:$0x11600] =	vst v63  }
0x19a: {  	s29 =	sadd.s32 @!p2 $0x1000, s28;
	s31 =	sadd.s32 @!p2 $0x4880, s30  }
0x19b: {  	[tilespmem:s31], [sflag:$0x9] =	stream.linear.gather @!p2 [spmem:s29], $0x80, $0x38;
	[tilespmem:$0x11600] =	vst v63  }
0x19c: {  	s29 =	sadd.s32 @!p2 $0x1400, s28;
	s31 =	sadd.s32 @!p2 $0x4C80, s30  }
0x19d: {  	[tilespmem:s31], [sflag:$0x9] =	stream.linear.gather @!p2 [spmem:s29], $0x80, $0x38;
	[tilespmem:$0x11600] =	vst v63  }
0x19e: {  	s29 =	sadd.s32 @!p2 $0x1800, s28;
	s31 =	sadd.s32 @!p2 $0x5080, s30  }
0x19f: {  	[tilespmem:s31], [sflag:$0x9] =	stream.linear.gather @!p2 [spmem:s29], $0x80, $0x38;
	[tilespmem:$0x11600] =	vst v63  }
0x1a0: {  	s28 =	sadd.s32 @!p2 $0x1C00, s28;
	s30 =	sadd.s32 @!p2 $0x5480, s30;
	s29 =	spop @!p1 (v2sf)  }
0x1a1: {  	[tilespmem:s30], [sflag:$0x9] =	stream.linear.gather @!p2 [spmem:s28], $0x80, $0x38;
	[tilespmem:$0x11600] =	vst v63  }
0x1a2: {  	s28 =	sshll.u32 @!p1 s29, $0xA  }
0x1a3: {  	s30 =	sshll.u32 @!p1 s26, $0xE;
	s29 =	sshll.u32 @!p1 s29, $0x7;
	s28 =	sand.u32 @!p1 $0xFFFFE000, s28  }
0x1a4: {  	s31 =	spop (v2sf);
	s29 =	sand.u32 @!p1 $0x380, s29;
	s28 =	sadd.s32 @!p1 s28, s4  }
0x1a5: {  	p0 =	sne.s32 s31, $0x0;
	s28 =	sadd.s32 @!p1 s29, s28;
	s29 =	sor.u32 @!p1 $0x3900, s30  }
0x1a6: {  	(v2sf) =	vpush @!p0 v3, $0xF;
	[tilespmem:s29], [sflag:$0x9] =	stream.linear.gather @!p1 [spmem:s28], $0x80, $0x38;
	[tilespmem:$0x11600] =	vst v63  }
0x1a7: {  	s31 =	sor.u32 @!p1 $0x3D00, s30;
	s29 =	sadd.s32 @!p1 $0x400, s28  }
0x1a8: {  	[tilespmem:s31], [sflag:$0x9] =	stream.linear.gather @!p1 [spmem:s29], $0x80, $0x38;
	[tilespmem:$0x11600] =	vst v63  }
0x1a9: {  	s29 =	sadd.s32 @!p1 $0x800, s28;
	s31 =	sadd.s32 @!p1 $0x4100, s30  }
0x1aa: {  	[tilespmem:s31], [sflag:$0x9] =	stream.linear.gather @!p1 [spmem:s29], $0x80, $0x38;
	[tilespmem:$0x11600] =	vst v63  }
0x1ab: {  	s29 =	sadd.s32 @!p1 $0xC00, s28;
	s31 =	sadd.s32 @!p1 $0x4500, s30  }
0x1ac: {  	[tilespmem:s31], [sflag:$0x9] =	stream.linear.gather @!p1 [spmem:s29], $0x80, $0x38;
	[tilespmem:$0x11600] =	vst v63  }
0x1ad: {  	s29 =	sadd.s32 @!p1 $0x1000, s28;
	s31 =	sadd.s32 @!p1 $0x4900, s30  }
0x1ae: {  	[tilespmem:s31], [sflag:$0x9] =	stream.linear.gather @!p1 [spmem:s29], $0x80, $0x38;
	[tilespmem:$0x11600] =	vst v63  }
0x1af: {  	s29 =	sadd.s32 @!p1 $0x1400, s28;
	s31 =	sadd.s32 @!p1 $0x4D00, s30  }
0x1b0: {  	[tilespmem:s31], [sflag:$0x9] =	stream.linear.gather @!p1 [spmem:s29], $0x80, $0x38;
	[tilespmem:$0x11600] =	vst v63  }
0x1b1: {  	s29 =	sadd.s32 @!p1 $0x1800, s28;
	s31 =	sadd.s32 @!p1 $0x5100, s30  }
0x1b2: {  	[tilespmem:s31], [sflag:$0x9] =	stream.linear.gather @!p1 [spmem:s29], $0x80, $0x38;
	[tilespmem:$0x11600] =	vst v63  }
0x1b3: {  	s28 =	sadd.s32 @!p1 $0x1C00, s28;
	s29 =	sadd.s32 @!p1 $0x5500, s30  }
0x1b4: {  	[tilespmem:s29], [sflag:$0x9] =	stream.linear.gather @!p1 [spmem:s28], $0x80, $0x38;
	[tilespmem:$0x11600] =	vst v63  }
0x1b5: {  	s28 =	spop @!p0 (v2sf)  }
0x1b6: {  	s29 =	sshll.u32 @!p0 s28, $0xA  }
0x1b7: {  	s28 =	sshll.u32 @!p0 s28, $0x7;
	s29 =	sand.u32 @!p0 $0xFFFFE000, s29  }
0x1b8: {  	s30 =	sshll.u32 @!p0 s26, $0xE;
	s28 =	sand.u32 @!p0 $0x380, s28;
	s29 =	sadd.s32 @!p0 s29, s4  }
0x1b9: {  	s31 =	sor.u32 @!p0 $0x3980, s30;
	s28 =	sadd.s32 @!p0 s28, s29  }
0x1ba: {  	[tilespmem:s31], [sflag:$0x9] =	stream.linear.gather @!p0 [spmem:s28], $0x80, $0x38;
	[tilespmem:$0x11600] =	vst v63  }
0x1bb: {  	s29 =	sadd.s32 @!p0 $0x400, s28;
	s31 =	sor.u32 @!p0 $0x3D80, s30  }
0x1bc: {  	[tilespmem:s31], [sflag:$0x9] =	stream.linear.gather @!p0 [spmem:s29], $0x80, $0x38;
	[tilespmem:$0x11600] =	vst v63  }
0x1bd: {  	s29 =	sadd.s32 @!p0 $0x800, s28;
	s31 =	sadd.s32 @!p0 $0x4180, s30  }
0x1be: {  	[tilespmem:s31], [sflag:$0x9] =	stream.linear.gather @!p0 [spmem:s29], $0x80, $0x38;
	[tilespmem:$0x11600] =	vst v63  }
0x1bf: {  	s29 =	sadd.s32 @!p0 $0xC00, s28;
	s31 =	sadd.s32 @!p0 $0x4580, s30  }
0x1c0: {  	[tilespmem:s31], [sflag:$0x9] =	stream.linear.gather @!p0 [spmem:s29], $0x80, $0x38;
	[tilespmem:$0x11600] =	vst v63  }
0x1c1: {  	s29 =	sadd.s32 @!p0 $0x1000, s28;
	s31 =	sadd.s32 @!p0 $0x4980, s30  }
0x1c2: {  	[tilespmem:s31], [sflag:$0x9] =	stream.linear.gather @!p0 [spmem:s29], $0x80, $0x38;
	[tilespmem:$0x11600] =	vst v63  }
0x1c3: {  	s29 =	sadd.s32 @!p0 $0x1400, s28;
	s31 =	sadd.s32 @!p0 $0x4D80, s30  }
0x1c4: {  	[tilespmem:s31], [sflag:$0x9] =	stream.linear.gather @!p0 [spmem:s29], $0x80, $0x38;
	[tilespmem:$0x11600] =	vst v63  }
0x1c5: {  	s29 =	sadd.s32 @!p0 $0x1800, s28;
	s31 =	sadd.s32 @!p0 $0x5180, s30  }
0x1c6: {  	[tilespmem:s31], [sflag:$0x9] =	stream.linear.gather @!p0 [spmem:s29], $0x80, $0x38;
	[tilespmem:$0x11600] =	vst v63  }
0x1c7: {  	s28 =	sadd.s32 @!p0 $0x1C00, s28;
	s29 =	sadd.s32 @!p0 $0x5580, s30  }
0x1c8: {  	[tilespmem:s29], [sflag:$0x9] =	stream.linear.gather @!p0 [spmem:s28], $0x80, $0x38;
	[tilespmem:$0x11600] =	vst v63  }
0x1c9: {  	s28 =	simm.s32 @!p3 $0x9  }
0x1ca: {  	_ =	swait.ge @!p3 [sflag:s28], $0x400  }
0x1cb: {  	s30 =	sld [smem:$0x7F5];
	_ =	sdelay $0x1  }
0x1cc: {  	[sflag:s28] =	ssyncset.done @!p3 $0x0  }
0x1cd: {  	[sflag:s28] =	ssyncadd.s32 @!p3 $0xFFFFFC00;
	p3 =	seq.s32 s30, $0x1  }
0x1ce: {  	s28 =	simm.s32 @!p3 $0x9  }
0x1cf: {  	_ =	swait.ge @!p3 [sflag:s28], $0x400  }
0x1d0: {  	s31 =	sld [smem:$0x7F6];
	_ =	sdelay $0x1  }
0x1d1: {  	[sflag:s28] =	ssyncset.done @!p3 $0x0  }
0x1d2: {  	[sflag:s28] =	ssyncadd.s32 @!p3 $0xFFFFFC00;
	p3 =	seq.s32 s31, $0x1  }
0x1d3: {  	s28 =	simm.s32 @!p3 $0x9  }
0x1d4: {  	_ =	swait.ge @!p3 [sflag:s28], $0x400  }
0x1d5: {  	s29 =	sld [smem:$0x7F7];
	_ =	sdelay $0x1  }
0x1d6: {  	[sflag:s28] =	ssyncset.done @!p3 $0x0  }
0x1d7: {  	[sflag:s28] =	ssyncadd.s32 @!p3 $0xFFFFFC00;
	p3 =	seq.s32 s29, $0x1  }
0x1d8: {  	s28 =	simm.s32 @!p3 $0x9  }
0x1d9: {  	_ =	swait.ge @!p3 [sflag:s28], $0x400  }
0x1da: {  	s30 =	sld [smem:$0x7F8];
	_ =	sdelay $0x1  }
0x1db: {  	[sflag:s28] =	ssyncset.done @!p3 $0x0  }
0x1dc: {  	[sflag:s28] =	ssyncadd.s32 @!p3 $0xFFFFFC00;
	p3 =	seq.s32 s30, $0x1  }
0x1dd: {  	s28 =	simm.s32 @!p3 $0x9  }
0x1de: {  	_ =	swait.ge @!p3 [sflag:s28], $0x400  }
0x1df: {  	s31 =	sld [smem:$0x7F9];
	_ =	sdelay $0x1  }
0x1e0: {  	[sflag:s28] =	ssyncset.done @!p3 $0x0  }
0x1e1: {  	[sflag:s28] =	ssyncadd.s32 @!p3 $0xFFFFFC00;
	p3 =	seq.s32 s31, $0x1  }
0x1e2: {  	s28 =	simm.s32 @!p3 $0x9  }
0x1e3: {  	_ =	swait.ge @!p3 [sflag:s28], $0x400  }
0x1e4: {  	s29 =	sld [smem:$0x7FA];
	_ =	sdelay $0x1  }
0x1e5: {  	[sflag:s28] =	ssyncset.done @!p3 $0x0  }
0x1e6: {  	[sflag:s28] =	ssyncadd.s32 @!p3 $0xFFFFFC00;
	p3 =	seq.s32 s29, $0x1  }
0x1e7: {  	s28 =	simm.s32 @!p3 $0x9  }
0x1e8: {  	_ =	swait.ge @!p3 [sflag:s28], $0x400  }
0x1e9: {  	s30 =	sld [smem:$0x7FB];
	_ =	sdelay $0x1  }
0x1ea: {  	[sflag:s28] =	ssyncset.done @!p3 $0x0  }
0x1eb: {  	[sflag:s28] =	ssyncadd.s32 @!p3 $0xFFFFFC00;
	p3 =	seq.s32 s30, $0x1  }
0x1ec: {  	s28 =	simm.s32 @!p3 $0x9  }
0x1ed: {  	_ =	swait.ge @!p3 [sflag:s28], $0x400  }
0x1ee: {  	s31 =	sld [smem:$0x7FC];
	_ =	sdelay $0x1  }
0x1ef: {  	[sflag:s28] =	ssyncset.done @!p3 $0x0  }
0x1f0: {  	[sflag:s28] =	ssyncadd.s32 @!p3 $0xFFFFFC00;
	p3 =	seq.s32 s31, $0x1  }
0x1f1: {  	s28 =	simm.s32 @!p3 $0x9  }
0x1f2: {  	_ =	swait.ge @!p3 [sflag:s28], $0x400  }
0x1f3: {  	s29 =	sld [smem:$0x7FD];
	_ =	sdelay $0x1  }
0x1f4: {  	[sflag:s28] =	ssyncset.done @!p3 $0x0  }
0x1f5: {  	[sflag:s28] =	ssyncadd.s32 @!p3 $0xFFFFFC00;
	p3 =	seq.s32 s29, $0x1  }
0x1f6: {  	s28 =	simm.s32 @!p3 $0x9  }
0x1f7: {  	_ =	swait.ge @!p3 [sflag:s28], $0x400  }
0x1f8: {  	[sflag:s28] =	ssyncset.done @!p3 $0x0  }
0x1f9: {  	[sflag:s28] =	ssyncadd.s32 @!p3 $0xFFFFFC00;
	s28 =	simm.s32 @!p6 $0x9  }
0x1fa: {  	_ =	swait.ge @!p6 [sflag:s28], $0x400  }
0x1fb: {  	[sflag:s28] =	ssyncset.done @!p6 $0x0  }
0x1fc: {  	[sflag:s28] =	ssyncadd.s32 @!p6 $0xFFFFFC00;
	s28 =	simm.s32 @!p5 $0x9  }
0x1fd: {  	_ =	swait.ge @!p5 [sflag:s28], $0x400  }
0x1fe: {  	[sflag:s28] =	ssyncset.done @!p5 $0x0  }
0x1ff: {  	[sflag:s28] =	ssyncadd.s32 @!p5 $0xFFFFFC00;
	s28 =	simm.s32 @!p4 $0x9  }
0x200: {  	_ =	swait.ge @!p4 [sflag:s28], $0x400  }
0x201: {  	[sflag:s28] =	ssyncset.done @!p4 $0x0  }
0x202: {  	[sflag:s28] =	ssyncadd.s32 @!p4 $0xFFFFFC00;
	s28 =	simm.s32 @!p2 $0x9  }
0x203: {  	_ =	swait.ge @!p2 [sflag:s28], $0x400  }
0x204: {  	[sflag:s28] =	ssyncset.done @!p2 $0x0  }
0x205: {  	[sflag:s28] =	ssyncadd.s32 @!p2 $0xFFFFFC00;
	s28 =	simm.s32 @!p1 $0x9  }
0x206: {  	_ =	swait.ge @!p1 [sflag:s28], $0x400  }
0x207: {  	[sflag:s28] =	ssyncset.done @!p1 $0x0  }
0x208: {  	[sflag:s28] =	ssyncadd.s32 @!p1 $0xFFFFFC00;
	s28 =	simm.s32 @!p0 $0x9  }
0x209: {  	_ =	swait.ge @!p0 [sflag:s28], $0x400  }
0x20a: {  	s24 =	sadd.s32 $0x1, s24;
	[sflag:s28] =	ssyncset.done @!p0 $0x0  }
0x20b: {  	[sflag:s28] =	ssyncadd.s32 @!p0 $0xFFFFFC00;
	p0 =	sne.s32 s24, $0x20  }
.Ltmp0:
0x20c: {  	_ = 	snop;
	(pc) =	sbr.rel @p0 .LBB2_2-.Ltmp0, $4  }
0x20d: {  	s30 =	sshll.u32 s26, $0xE  }
0x20e: {  	s22 =	sadd.s32 $0x10, s22;
	s26 =	sadd.s32 $0x5, s26;
	s31 =	sor.u32 $0x1600, s30  }
0x20f: {  	[hbm4b:s13+s5] =	stream.linear.scatter [tilespmem:s31], [sflag:s26], $0x4000, $0x38;
	[tilespmem:$0x11600] =	vst v63  }
0x210: {  	s21 =	sadd.s32 $0x10, s21;
	s20 =	sadd.s32 $0x10, s20;
	s13 =	sadd.s32 $0x800, s13  }
0x211: {  	s19 =	sadd.s32 $0x1, s19  }
0x212: {  	_ =	swait.ge [sflag:s17], $0x4000;
	p0 =	sne.s32 s19, s12  }
.Ltmp1:
0x213: {  	[sflag:s17] =	ssyncset.done $0x0;
	(pc) =	sbr.rel @p0 .LBB2_1-.Ltmp1, $4  }
0x214: {  	[sflag:s17] =	ssyncadd.s32 $0xFFFFC000  }
0x215: {  	_ =	swait.ge [sflag:s18], $0x4000  }
0x216: {  	[sflag:s18] =	ssyncset.done $0x0  }
0x217: {  	[sflag:s18] =	ssyncadd.s32 $0xFFFFC000  }
0x218: {  	_ =	sfence.sel $0x180000  }
0x219: {  	[bflag:$0x0] =	sbarrier.arrive $0xFFFF  }
0x21a: {  	_ =	strace $0x90000047  }
0x21b: {  	s0 =	stileid.u32;
	[bflag:$0x2] =	sbarrier.arrive $0xFFFF  }
0x21c: {  	p0 =	sne.s32 s0, $0x0;
	s0 =	rddreg [dreg:$0x7]  }
0x21d: {  	s0 =	sadd.s32 @!p0 $0x100000, s0  }
0x21e: {  	[sflag:s0] =	ssyncadd.tile.s32 @!p0 $0x1;
	_ =	shalt  }
.Lfunc_end2:
_tile_overlayer_lowered:
.L_overlay_start_2:
0x21f: {  	(tag) =	ssettag $0x2  }
0x220: {  	s0 =	rddreg [dreg:$0x0];
	s2 =	stileid.u32  }
0x221: {  	s1 =	rddreg [dreg:$0x1];
	p0 =	sne.s32 s2, $0x0  }
0x222: {  	s3 =	rddreg [dreg:$0x2];
	[bflag:$0x3] =	sbarrier.arrive $0xFFFF;
	s2 =	simm.s32 @!p0 $0x1C0A  }
0x223: {  	[timem:s3], [sflag:s2] =	dma.local @!p0 [hbm:s0], s1  }
0x224: {  	s0 =	simm.s32 @!p0 $0xA  }
0x225: {  	_ =	swait.ge @!p0 [sflag:s0], s1  }
0x226: {  	s1 =	ssub.s32 @!p0 $0x0, s1;
	[sflag:s0] =	ssyncset.done @!p0 $0x0  }
0x227: {  	[sflag:s0] =	ssyncadd.s32 @!p0 s1  }
0x228: {  	[bflag:$0x3] =	sbarrier.arrive $0xFFFF  }
0x229: {  	_ =	shalt  }

</sc_bundles>
